<compile_context>
chip_gen: v7x
topology: tpu7x:2x2x1
jax: 0.10.2.dev20260603
libtpu: 0.0.44.dev20260713+nightly
codegen_flags: <defaults>
</compile_context>

<pallas_src>
import functools

import jax
import jax.numpy as jnp
from jax import lax
from jax.experimental import pallas as pl
from jax.experimental.pallas import tpu as pltpu
from jax.experimental.pallas import tpu_sc as plsc

N_NODES = 10000
N_EDGES = 320000
D_FEAT = 128
NEGATIVE_RATIO = 5.0

NC, NS, L = 2, 16, 16
NW = NC * NS
H = 1
EH = N_EDGES // H
E_W = EH // NW
B = 80
NB = E_W // B

E_BLK = 2000
NBLK = EH // E_BLK


def _sc_body(src_hbm, dst_hbm, am_hbm, ph_hbm,
             o_phs, o_phd, o_ams, o_amd,
             src_v, dst_v,
             phs0, phd0, ams0, amd0, phs1, phd1, ams1, amd1,
             g0, g1, g2, g3, g4, g5, g6, g7,
             w0, w1, w2, w3, w4, w5, w6, w7):
    wid = lax.axis_index("s") * NC + lax.axis_index("c")
    bufs = ((phs0, phd0, ams0, amd0), (phs1, phd1, ams1, amd1))
    gsems = ((g0, g1, g2, g3), (g4, g5, g6, g7))
    wsems = ((w0, w1, w2, w3), (w4, w5, w6, w7))
    outs = (o_phs, o_phd, o_ams, o_amd)
    wbase = wid * E_W

    pltpu.sync_copy(src_hbm.at[pl.ds(wbase, E_W)], src_v)
    pltpu.sync_copy(dst_hbm.at[pl.ds(wbase, E_W)], dst_v)

    def gather_descs(i, p):
        sv = src_v.at[pl.ds(i * B, B)]
        dv = dst_v.at[pl.ds(i * B, B)]
        bp, gp = bufs[p], gsems[p]
        return (pltpu.make_async_copy(ph_hbm.at[sv], bp[0], gp[0]),
                pltpu.make_async_copy(ph_hbm.at[dv], bp[1], gp[1]),
                pltpu.make_async_copy(am_hbm.at[sv], bp[2], gp[2]),
                pltpu.make_async_copy(am_hbm.at[dv], bp[3], gp[3]))

    def write_descs(i, p):
        base = wbase + i * B
        bp, wp = bufs[p], wsems[p]
        return tuple(
            pltpu.make_async_copy(bp[t], outs[t].at[pl.ds(base, B), :], wp[t])
            for t in range(4))

    for d in gather_descs(0, 0):
        d.start()
    for d in gather_descs(1, 1):
        d.start()

    def pair(k, carry):
        i = 2 * k
        for d in gather_descs(i, 0):
            d.wait()
        for d in write_descs(i, 0):
            d.start()
        for d in gather_descs(i + 1, 1):
            d.wait()
        for d in write_descs(i + 1, 1):
            d.start()
        for d in write_descs(i, 0):
            d.wait()

        @pl.when(i + 2 < NB)
        def _():
            for d in gather_descs(i + 2, 0):
                d.start()

        for d in write_descs(i + 1, 1):
            d.wait()

        @pl.when(i + 3 < NB)
        def _():
            for d in gather_descs(i + 3, 1):
                d.start()

        return carry

    lax.fori_loop(0, NB // 2, pair, 0)

    last = NB - 1
    for d in gather_descs(last, 0):
        d.wait()
    for d in write_descs(last, 0):
        d.start()
    for d in write_descs(last, 0):
        d.wait()


@functools.cache
def _make_sc_gather():
    fbuf = [pltpu.VMEM((B, D_FEAT), jnp.float32) for _ in range(8)]
    sems = [pltpu.SemaphoreType.DMA for _ in range(16)]
    row = jax.ShapeDtypeStruct((EH, D_FEAT), jnp.float32)
    return pl.kernel(
        _sc_body,
        out_type=(row, row, row, row),
        mesh=plsc.VectorSubcoreMesh(core_axis_name="c", subcore_axis_name="s"),
        compiler_params=pltpu.CompilerParams(needs_layout_passes=False),
        scratch_types=(
            [pltpu.VMEM((E_W,), jnp.int32), pltpu.VMEM((E_W,), jnp.int32)]
            + fbuf + sems),
    )


INV_2PI = 0.15915494309189535
PI2_A = 6.28125
PI2_B = 0.0019353071795864769
MAGIC = 12582912.0

SIN_C = (0.9999973, -0.16665146, 0.008319843, -0.00019424154, 2.2248707e-06)
COS_C = (0.99999946, -0.4999956, 0.04166103, -0.0013862747,
         2.4253193e-05, -2.219395e-07)


def _mid_body(phs_ref, phd_ref, ams_ref, amd_ref, r_ref, i_ref, b_ref):
    x = phs_ref[...] - phd_ref[...]
    m = ams_ref[...] * amd_ref[...]
    n = (x * INV_2PI + MAGIC) - MAGIC
    r = x - n * PI2_A
    r = r - n * PI2_B
    s = r * r
    sp = jnp.float32(SIN_C[4])
    for k in (3, 2, 1, 0):
        sp = sp * s + SIN_C[k]
    sinr = r * sp
    cp = jnp.float32(COS_C[5])
    for k in (4, 3, 2, 1, 0):
        cp = cp * s + COS_C[k]
    r_ref[...] = jnp.sum(m * cp, axis=1, keepdims=True)
    i_ref[...] = jnp.sum(m * sinr, axis=1, keepdims=True)
    b_ref[...] = jnp.sum(m, axis=1, keepdims=True)


def _tail_body(real_ref, img_ref, bi_ref, lab_ref, lw_ref, out_ref):
    real = real_ref[...]
    img = img_ref[...]
    bi = bi_ref[...]
    lab = lab_ref[...]

    t = (lab != 3).astype(jnp.float32)
    per = jnp.maximum(bi, 0.0) - bi * t + jnp.log1p(jnp.exp(-jnp.abs(bi)))
    exist = jnp.sum(per) * (1.0 / N_EDGES)

    rr = real * real
    ii = img * img
    p0 = -jnp.sqrt(rr + (img + 1.0) ** 2)
    p1 = -jnp.sqrt(rr + (img - 1.0) ** 2)
    p2 = -jnp.sqrt((real - 1.0) ** 2 + ii)
    p3 = -jnp.sqrt(rr + ii)
    mx = jnp.maximum(jnp.maximum(p0, p1), jnp.maximum(p2, p3))
    lse = mx + jnp.log(jnp.exp(p0 - mx) + jnp.exp(p1 - mx)
                       + jnp.exp(p2 - mx) + jnp.exp(p3 - mx))
    psel = jnp.where(lab == 0, p0,
                     jnp.where(lab == 1, p1,
                               jnp.where(lab == 2, p2, p3)))
    w = jnp.where(lab == 3, jnp.float32(1.0 / NEGATIVE_RATIO), jnp.float32(1.0))
    ce = jnp.sum(w * (lse - psel)) * (1.0 / N_EDGES)
    out_ref[0, 0] = ce + lw_ref[0] * exist


def kernel(all_edges, am_outputs, ph_outputs, loss_weight):
    edges = all_edges.astype(jnp.int32)
    src = jnp.ravel(edges[:, 0])
    dst = jnp.ravel(edges[:, 1])
    lab = jnp.ravel(edges[:, 2])

    vec2 = jax.ShapeDtypeStruct((EH, 1), jnp.float32)
    mid = pl.pallas_call(
        _mid_body,
        grid=(NBLK,),
        in_specs=[pl.BlockSpec((E_BLK, D_FEAT), lambda g: (g, 0))] * 4,
        out_specs=[pl.BlockSpec((E_BLK, 1), lambda g: (g, 0))] * 3,
        out_shape=(vec2, vec2, vec2),
    )
    sc_gather = _make_sc_gather()
    parts = []
    for h in range(H):
        rows_h = sc_gather(lax.dynamic_slice(src, (h * EH,), (EH,)),
                           lax.dynamic_slice(dst, (h * EH,), (EH,)),
                           am_outputs, ph_outputs)
        parts.append(mid(*rows_h))
    real, img, bi = (jnp.concatenate([p[t] for p in parts], axis=0)
                     for t in range(3))

    rows = N_EDGES // D_FEAT
    out = pl.pallas_call(
        _tail_body,
        out_shape=jax.ShapeDtypeStruct((1, 1), jnp.float32),
        in_specs=[
            pl.BlockSpec(memory_space=pltpu.VMEM),
            pl.BlockSpec(memory_space=pltpu.VMEM),
            pl.BlockSpec(memory_space=pltpu.VMEM),
            pl.BlockSpec(memory_space=pltpu.VMEM),
            pl.BlockSpec(memory_space=pltpu.SMEM),
        ],
        out_specs=pl.BlockSpec(memory_space=pltpu.SMEM),
    )(real.reshape(rows, D_FEAT), img.reshape(rows, D_FEAT),
      bi.reshape(rows, D_FEAT), lab.reshape(rows, D_FEAT),
      jnp.reshape(loss_weight.astype(jnp.float32), (1,)))
    return jnp.reshape(out, ())

# --- scband reference (transcript-rebuilt; emitter-appended) ---
"""Pipeline reference for scband-four-class-loss-32684701123295 (READ-ONLY COPY).

The authoritative reference and input builder live on the scoring server;
editing this copy changes nothing except your own understanding.
"""

import jax, jax.numpy as jnp
import numpy as np

N_NODES = 10000
N_EDGES = 320000
D_FEAT = 128
NEGATIVE_RATIO = 5.0
CLASS_WEIGHT = jnp.array([1.0, 1.0, 1.0, 1.0 / NEGATIVE_RATIO], dtype=jnp.float32)


def setup_inputs(seed: int = 0) -> dict:
    key = jax.random.key(seed)
    k1, k2, k3, k4 = jax.random.split(key, 4)
    nodes = jax.random.randint(k1, (N_EDGES, 2), 0, N_NODES)
    labels = jax.random.randint(k2, (N_EDGES, 1), 0, 4)
    all_edges = jnp.concatenate([nodes, labels], axis=1)
    am_outputs = jax.random.normal(k3, (N_NODES, D_FEAT), dtype=jnp.float32)
    ph_outputs = jax.random.normal(k4, (N_NODES, D_FEAT), dtype=jnp.float32)
    loss_weight = jnp.float32(1.0)
    return {"all_edges": all_edges, "am_outputs": am_outputs,
            "ph_outputs": ph_outputs, "loss_weight": loss_weight}


def _bce_with_logits_mean(logits, targets):
    # numerically stable BCEWithLogitsLoss, reduction='mean'
    per = jnp.maximum(logits, 0.0) - logits * targets + jnp.log1p(jnp.exp(-jnp.abs(logits)))
    return jnp.mean(per)


def reference(all_edges, am_outputs, ph_outputs, loss_weight):
    src = all_edges[:, 0]
    dst = all_edges[:, 1]
    lab = all_edges[:, 2]

    idx_1 = (lab == 0)
    idx_2 = (lab == 1)
    idx_3 = (lab == 2)
    idx_4 = (lab == 3)

    ph_src = jnp.take(ph_outputs, src, axis=0)
    ph_dst = jnp.take(ph_outputs, dst, axis=0)
    am_src = jnp.take(am_outputs, src, axis=0)
    am_dst = jnp.take(am_outputs, dst, axis=0)

    diff = ph_src - ph_dst
    cos = jnp.cos(diff)
    sin = jnp.sin(diff)
    mul = am_src * am_dst

    real_part = jnp.sum(mul * cos, axis=1)
    img_part = jnp.sum(mul * sin, axis=1)
    bi_predict = jnp.sum(mul, axis=1)

    ex_target = jnp.where(idx_4, 0.0, 1.0).astype(jnp.float32)
    exist_loss = _bce_with_logits_mean(bi_predict, ex_target)

    p0 = -jnp.sqrt(real_part ** 2 + (img_part + 1.0) ** 2)
    p1 = -jnp.sqrt(real_part ** 2 + (img_part - 1.0) ** 2)
    p2 = -jnp.sqrt((real_part - 1.0) ** 2 + img_part ** 2)
    p3 = -jnp.sqrt(real_part ** 2 + img_part ** 2)
    predicted_2 = jnp.stack([p0, p1, p2, p3], axis=1)

    di_target = jnp.stack([idx_1, idx_2, idx_3, idx_4], axis=1).astype(jnp.float32)

    # torch CrossEntropyLoss with soft (probability) targets and class weights:
    # l_n = -sum_c w_c * y_{n,c} * log_softmax(x)_{n,c}; mean over batch N
    logp = jax.nn.log_softmax(predicted_2, axis=1)
    ce = jnp.mean(-jnp.sum(CLASS_WEIGHT[None, :] * di_target * logp, axis=1))

    loss = ce + loss_weight * exist_loss
    return loss

if __name__ == "__main__":
    import jax
    _d = setup_inputs()
    print(jax.jit(kernel)(*tuple(_d.values())))

</pallas_src>

<mosaic_0001>
#map = affine_map<(d0, d1) -> (0)>
#map1 = affine_map<(d0, d1) -> (0, 0)>
module attributes {stable_mosaic.version = 14 : i64} {
  func.func @_sc_body(%arg0: i32, %arg1: i32, %arg2: memref<320000xi32, #tpu.memory_space<hbm>>, %arg3: memref<320000xi32, #tpu.memory_space<hbm>>, %arg4: memref<10000x128xf32, #tpu.memory_space<hbm>>, %arg5: memref<10000x128xf32, #tpu.memory_space<hbm>>, %arg6: memref<320000x128xf32, #tpu.memory_space<hbm>>, %arg7: memref<320000x128xf32, #tpu.memory_space<hbm>>, %arg8: memref<320000x128xf32, #tpu.memory_space<hbm>>, %arg9: memref<320000x128xf32, #tpu.memory_space<hbm>>, %arg10: memref<10000xi32, #tpu.memory_space<vmem>>, %arg11: memref<10000xi32, #tpu.memory_space<vmem>>, %arg12: memref<80x128xf32, #tpu.memory_space<vmem>>, %arg13: memref<80x128xf32, #tpu.memory_space<vmem>>, %arg14: memref<80x128xf32, #tpu.memory_space<vmem>>, %arg15: memref<80x128xf32, #tpu.memory_space<vmem>>, %arg16: memref<80x128xf32, #tpu.memory_space<vmem>>, %arg17: memref<80x128xf32, #tpu.memory_space<vmem>>, %arg18: memref<80x128xf32, #tpu.memory_space<vmem>>, %arg19: memref<80x128xf32, #tpu.memory_space<vmem>>, %arg20: memref<!tpu.dma_semaphore, #tpu.memory_space<semaphore_mem>>, %arg21: memref<!tpu.dma_semaphore, #tpu.memory_space<semaphore_mem>>, %arg22: memref<!tpu.dma_semaphore, #tpu.memory_space<semaphore_mem>>, %arg23: memref<!tpu.dma_semaphore, #tpu.memory_space<semaphore_mem>>, %arg24: memref<!tpu.dma_semaphore, #tpu.memory_space<semaphore_mem>>, %arg25: memref<!tpu.dma_semaphore, #tpu.memory_space<semaphore_mem>>, %arg26: memref<!tpu.dma_semaphore, #tpu.memory_space<semaphore_mem>>, %arg27: memref<!tpu.dma_semaphore, #tpu.memory_space<semaphore_mem>>, %arg28: memref<!tpu.dma_semaphore, #tpu.memory_space<semaphore_mem>>, %arg29: memref<!tpu.dma_semaphore, #tpu.memory_space<semaphore_mem>>, %arg30: memref<!tpu.dma_semaphore, #tpu.memory_space<semaphore_mem>>, %arg31: memref<!tpu.dma_semaphore, #tpu.memory_space<semaphore_mem>>, %arg32: memref<!tpu.dma_semaphore, #tpu.memory_space<semaphore_mem>>, %arg33: memref<!tpu.dma_semaphore, #tpu.memory_space<semaphore_mem>>, %arg34: memref<!tpu.dma_semaphore, #tpu.memory_space<semaphore_mem>>, %arg35: memref<!tpu.dma_semaphore, #tpu.memory_space<semaphore_mem>>) attributes {dimension_semantics = [#tpu.dimension_semantics<core_parallel>, #tpu.dimension_semantics<subcore_parallel>], iteration_bounds = array<i64: 2, 16>, scalar_prefetch = 0 : i64, scratch_operands = 26 : i64, tpu.core_type = #tpu.core_type<sc_vector_subcore>, window_params = [{transform_indices = #map}, {transform_indices = #map}, {transform_indices = #map1}, {transform_indices = #map1}, {transform_indices = #map1}, {transform_indices = #map1}, {transform_indices = #map1}, {transform_indices = #map1}]} {
    %mul3A = arith.constant 2 : i32
    %mul3A_0 = arith.muli %arg1, %mul3A : i32
    %add3A = arith.addi %mul3A_0, %arg0 : i32
    %mul3A_1 = arith.constant 10000 : i32
    %mul3A_2 = arith.muli %add3A, %mul3A_1 : i32
    "tpu.region"() ({
      %run_scoped3A = tpu.sem_alloc : memref<!tpu.dma_semaphore, #tpu.memory_space<semaphore_mem>>
      %dma_start3A_102 = tpu.memref_slice %arg2[%mul3A_2] : memref<320000xi32, #tpu.memory_space<hbm>> -> memref<10000xi32, #tpu.memory_space<hbm>>
      %dma_start3A_103 = tpu.memref_slice %arg2[%mul3A_2] : memref<320000xi32, #tpu.memory_space<hbm>> -> memref<10000xi32, #tpu.memory_space<hbm>>
      tpu.enqueue_dma source(%dma_start3A_103 : memref<10000xi32, #tpu.memory_space<hbm>>) target(%arg10 : memref<10000xi32, #tpu.memory_space<vmem>>) target_semaphore(%run_scoped3A : memref<!tpu.dma_semaphore, #tpu.memory_space<semaphore_mem>>)
      %dma_wait3A_104 = tpu.memref_slice %arg2[%mul3A_2] : memref<320000xi32, #tpu.memory_space<hbm>> -> memref<10000xi32, #tpu.memory_space<hbm>>
      %dma_wait3A_105 = tpu.memref_slice %arg2[%mul3A_2] : memref<320000xi32, #tpu.memory_space<hbm>> -> memref<10000xi32, #tpu.memory_space<hbm>>
      tpu.wait_dma2 semaphore(%run_scoped3A : memref<!tpu.dma_semaphore, #tpu.memory_space<semaphore_mem>>) src(%dma_wait3A_105 : memref<10000xi32, #tpu.memory_space<hbm>>) dst(%arg10 : memref<10000xi32, #tpu.memory_space<vmem>>)
      tpu.yield
    }) : () -> ()
    "tpu.region"() ({
      %run_scoped3A = tpu.sem_alloc : memref<!tpu.dma_semaphore, #tpu.memory_space<semaphore_mem>>
      %dma_start3A_102 = tpu.memref_slice %arg3[%mul3A_2] : memref<320000xi32, #tpu.memory_space<hbm>> -> memref<10000xi32, #tpu.memory_space<hbm>>
      %dma_start3A_103 = tpu.memref_slice %arg3[%mul3A_2] : memref<320000xi32, #tpu.memory_space<hbm>> -> memref<10000xi32, #tpu.memory_space<hbm>>
      tpu.enqueue_dma source(%dma_start3A_103 : memref<10000xi32, #tpu.memory_space<hbm>>) target(%arg11 : memref<10000xi32, #tpu.memory_space<vmem>>) target_semaphore(%run_scoped3A : memref<!tpu.dma_semaphore, #tpu.memory_space<semaphore_mem>>)
      %dma_wait3A_104 = tpu.memref_slice %arg3[%mul3A_2] : memref<320000xi32, #tpu.memory_space<hbm>> -> memref<10000xi32, #tpu.memory_space<hbm>>
      %dma_wait3A_105 = tpu.memref_slice %arg3[%mul3A_2] : memref<320000xi32, #tpu.memory_space<hbm>> -> memref<10000xi32, #tpu.memory_space<hbm>>
      tpu.wait_dma2 semaphore(%run_scoped3A : memref<!tpu.dma_semaphore, #tpu.memory_space<semaphore_mem>>) src(%dma_wait3A_105 : memref<10000xi32, #tpu.memory_space<hbm>>) dst(%arg11 : memref<10000xi32, #tpu.memory_space<vmem>>)
      tpu.yield
    }) : () -> ()
    %dma_start3A = arith.constant 0 : i32
    %dma_start3A_3 = tpu.memref_slice %arg10[%dma_start3A] : memref<10000xi32, #tpu.memory_space<vmem>> -> memref<80xi32, #tpu.memory_space<vmem>>
    %dma_start3A_4 = arith.constant 0 : i32
    %dma_start3A_5 = arith.constant 0 : i32
    %dma_start3A_6 = tpu.memref_slice %arg5[%dma_start3A_4, %dma_start3A_5] : memref<10000x128xf32, #tpu.memory_space<hbm>> -> memref<10000x128xf32, #tpu.memory_space<hbm>>
    tpu.enqueue_indirect_dma source(%dma_start3A_6 : memref<10000x128xf32, #tpu.memory_space<hbm>>) target(%arg12 : memref<80x128xf32, #tpu.memory_space<vmem>>) offsets(%dma_start3A_3 : memref<80xi32, #tpu.memory_space<vmem>>) semaphore(%arg20 : memref<!tpu.dma_semaphore, #tpu.memory_space<semaphore_mem>>)
    %dma_start3A_7 = arith.constant 0 : i32
    %dma_start3A_8 = tpu.memref_slice %arg11[%dma_start3A_7] : memref<10000xi32, #tpu.memory_space<vmem>> -> memref<80xi32, #tpu.memory_space<vmem>>
    %dma_start3A_9 = arith.constant 0 : i32
    %dma_start3A_10 = arith.constant 0 : i32
    %dma_start3A_11 = tpu.memref_slice %arg5[%dma_start3A_9, %dma_start3A_10] : memref<10000x128xf32, #tpu.memory_space<hbm>> -> memref<10000x128xf32, #tpu.memory_space<hbm>>
    tpu.enqueue_indirect_dma source(%dma_start3A_11 : memref<10000x128xf32, #tpu.memory_space<hbm>>) target(%arg13 : memref<80x128xf32, #tpu.memory_space<vmem>>) offsets(%dma_start3A_8 : memref<80xi32, #tpu.memory_space<vmem>>) semaphore(%arg21 : memref<!tpu.dma_semaphore, #tpu.memory_space<semaphore_mem>>)
    %dma_start3A_12 = arith.constant 0 : i32
    %dma_start3A_13 = tpu.memref_slice %arg10[%dma_start3A_12] : memref<10000xi32, #tpu.memory_space<vmem>> -> memref<80xi32, #tpu.memory_space<vmem>>
    %dma_start3A_14 = arith.constant 0 : i32
    %dma_start3A_15 = arith.constant 0 : i32
    %dma_start3A_16 = tpu.memref_slice %arg4[%dma_start3A_14, %dma_start3A_15] : memref<10000x128xf32, #tpu.memory_space<hbm>> -> memref<10000x128xf32, #tpu.memory_space<hbm>>
    tpu.enqueue_indirect_dma source(%dma_start3A_16 : memref<10000x128xf32, #tpu.memory_space<hbm>>) target(%arg14 : memref<80x128xf32, #tpu.memory_space<vmem>>) offsets(%dma_start3A_13 : memref<80xi32, #tpu.memory_space<vmem>>) semaphore(%arg22 : memref<!tpu.dma_semaphore, #tpu.memory_space<semaphore_mem>>)
    %dma_start3A_17 = arith.constant 0 : i32
    %dma_start3A_18 = tpu.memref_slice %arg11[%dma_start3A_17] : memref<10000xi32, #tpu.memory_space<vmem>> -> memref<80xi32, #tpu.memory_space<vmem>>
    %dma_start3A_19 = arith.constant 0 : i32
    %dma_start3A_20 = arith.constant 0 : i32
    %dma_start3A_21 = tpu.memref_slice %arg4[%dma_start3A_19, %dma_start3A_20] : memref<10000x128xf32, #tpu.memory_space<hbm>> -> memref<10000x128xf32, #tpu.memory_space<hbm>>
    tpu.enqueue_indirect_dma source(%dma_start3A_21 : memref<10000x128xf32, #tpu.memory_space<hbm>>) target(%arg15 : memref<80x128xf32, #tpu.memory_space<vmem>>) offsets(%dma_start3A_18 : memref<80xi32, #tpu.memory_space<vmem>>) semaphore(%arg23 : memref<!tpu.dma_semaphore, #tpu.memory_space<semaphore_mem>>)
    %dma_start3A_22 = arith.constant 80 : i32
    %dma_start3A_23 = tpu.memref_slice %arg10[%dma_start3A_22] : memref<10000xi32, #tpu.memory_space<vmem>> -> memref<80xi32, #tpu.memory_space<vmem>>
    %dma_start3A_24 = arith.constant 0 : i32
    %dma_start3A_25 = arith.constant 0 : i32
    %dma_start3A_26 = tpu.memref_slice %arg5[%dma_start3A_24, %dma_start3A_25] : memref<10000x128xf32, #tpu.memory_space<hbm>> -> memref<10000x128xf32, #tpu.memory_space<hbm>>
    tpu.enqueue_indirect_dma source(%dma_start3A_26 : memref<10000x128xf32, #tpu.memory_space<hbm>>) target(%arg16 : memref<80x128xf32, #tpu.memory_space<vmem>>) offsets(%dma_start3A_23 : memref<80xi32, #tpu.memory_space<vmem>>) semaphore(%arg24 : memref<!tpu.dma_semaphore, #tpu.memory_space<semaphore_mem>>)
    %dma_start3A_27 = arith.constant 80 : i32
    %dma_start3A_28 = tpu.memref_slice %arg11[%dma_start3A_27] : memref<10000xi32, #tpu.memory_space<vmem>> -> memref<80xi32, #tpu.memory_space<vmem>>
    %dma_start3A_29 = arith.constant 0 : i32
    %dma_start3A_30 = arith.constant 0 : i32
    %dma_start3A_31 = tpu.memref_slice %arg5[%dma_start3A_29, %dma_start3A_30] : memref<10000x128xf32, #tpu.memory_space<hbm>> -> memref<10000x128xf32, #tpu.memory_space<hbm>>
    tpu.enqueue_indirect_dma source(%dma_start3A_31 : memref<10000x128xf32, #tpu.memory_space<hbm>>) target(%arg17 : memref<80x128xf32, #tpu.memory_space<vmem>>) offsets(%dma_start3A_28 : memref<80xi32, #tpu.memory_space<vmem>>) semaphore(%arg25 : memref<!tpu.dma_semaphore, #tpu.memory_space<semaphore_mem>>)
    %dma_start3A_32 = arith.constant 80 : i32
    %dma_start3A_33 = tpu.memref_slice %arg10[%dma_start3A_32] : memref<10000xi32, #tpu.memory_space<vmem>> -> memref<80xi32, #tpu.memory_space<vmem>>
    %dma_start3A_34 = arith.constant 0 : i32
    %dma_start3A_35 = arith.constant 0 : i32
    %dma_start3A_36 = tpu.memref_slice %arg4[%dma_start3A_34, %dma_start3A_35] : memref<10000x128xf32, #tpu.memory_space<hbm>> -> memref<10000x128xf32, #tpu.memory_space<hbm>>
    tpu.enqueue_indirect_dma source(%dma_start3A_36 : memref<10000x128xf32, #tpu.memory_space<hbm>>) target(%arg18 : memref<80x128xf32, #tpu.memory_space<vmem>>) offsets(%dma_start3A_33 : memref<80xi32, #tpu.memory_space<vmem>>) semaphore(%arg26 : memref<!tpu.dma_semaphore, #tpu.memory_space<semaphore_mem>>)
    %dma_start3A_37 = arith.constant 80 : i32
    %dma_start3A_38 = tpu.memref_slice %arg11[%dma_start3A_37] : memref<10000xi32, #tpu.memory_space<vmem>> -> memref<80xi32, #tpu.memory_space<vmem>>
    %dma_start3A_39 = arith.constant 0 : i32
    %dma_start3A_40 = arith.constant 0 : i32
    %dma_start3A_41 = tpu.memref_slice %arg4[%dma_start3A_39, %dma_start3A_40] : memref<10000x128xf32, #tpu.memory_space<hbm>> -> memref<10000x128xf32, #tpu.memory_space<hbm>>
    tpu.enqueue_indirect_dma source(%dma_start3A_41 : memref<10000x128xf32, #tpu.memory_space<hbm>>) target(%arg19 : memref<80x128xf32, #tpu.memory_space<vmem>>) offsets(%dma_start3A_38 : memref<80xi32, #tpu.memory_space<vmem>>) semaphore(%arg27 : memref<!tpu.dma_semaphore, #tpu.memory_space<semaphore_mem>>)
    %scan3A = arith.constant 0 : i32
    %scan3A_42 = arith.constant 0 : i32
    %scan3A_43 = arith.constant 62 : i32
    %scan3A_44 = arith.addi %scan3A_42, %scan3A_43 : i32
    %scan3A_45 = arith.constant 1 : i32
    scf.for %scan3A_102 = %scan3A_42 to %scan3A_44 step %scan3A_45  : i32 {
      %mul3A_103 = arith.constant 2 : i32
      %mul3A_104 = arith.muli %mul3A_103, %scan3A_102 : i32
      %mul3A_105 = arith.constant 80 : i32
      %mul3A_106 = arith.muli %mul3A_104, %mul3A_105 : i32
      %mul3A_107 = arith.constant 80 : i32
      %mul3A_108 = arith.muli %mul3A_104, %mul3A_107 : i32
      %dma_wait3A_109 = tpu.memref_slice %arg10[%mul3A_106] : memref<10000xi32, #tpu.memory_space<vmem>> -> memref<80xi32, #tpu.memory_space<vmem>>
      %dma_wait3A_110 = arith.constant 0 : i32
      %dma_wait3A_111 = arith.constant 0 : i32
      %dma_wait3A_112 = tpu.memref_slice %arg5[%dma_wait3A_110, %dma_wait3A_111] : memref<10000x128xf32, #tpu.memory_space<hbm>> -> memref<10000x128xf32, #tpu.memory_space<hbm>>
      tpu.wait_indirect_dma semaphore(%arg20 : memref<!tpu.dma_semaphore, #tpu.memory_space<semaphore_mem>>) src(%dma_wait3A_112 : memref<10000x128xf32, #tpu.memory_space<hbm>>) dst(%arg12 : memref<80x128xf32, #tpu.memory_space<vmem>>)
      %dma_wait3A_113 = tpu.memref_slice %arg11[%mul3A_108] : memref<10000xi32, #tpu.memory_space<vmem>> -> memref<80xi32, #tpu.memory_space<vmem>>
      %dma_wait3A_114 = arith.constant 0 : i32
      %dma_wait3A_115 = arith.constant 0 : i32
      %dma_wait3A_116 = tpu.memref_slice %arg5[%dma_wait3A_114, %dma_wait3A_115] : memref<10000x128xf32, #tpu.memory_space<hbm>> -> memref<10000x128xf32, #tpu.memory_space<hbm>>
      tpu.wait_indirect_dma semaphore(%arg21 : memref<!tpu.dma_semaphore, #tpu.memory_space<semaphore_mem>>) src(%dma_wait3A_116 : memref<10000x128xf32, #tpu.memory_space<hbm>>) dst(%arg13 : memref<80x128xf32, #tpu.memory_space<vmem>>)
      %dma_wait3A_117 = tpu.memref_slice %arg10[%mul3A_106] : memref<10000xi32, #tpu.memory_space<vmem>> -> memref<80xi32, #tpu.memory_space<vmem>>
      %dma_wait3A_118 = arith.constant 0 : i32
      %dma_wait3A_119 = arith.constant 0 : i32
      %dma_wait3A_120 = tpu.memref_slice %arg4[%dma_wait3A_118, %dma_wait3A_119] : memref<10000x128xf32, #tpu.memory_space<hbm>> -> memref<10000x128xf32, #tpu.memory_space<hbm>>
      tpu.wait_indirect_dma semaphore(%arg22 : memref<!tpu.dma_semaphore, #tpu.memory_space<semaphore_mem>>) src(%dma_wait3A_120 : memref<10000x128xf32, #tpu.memory_space<hbm>>) dst(%arg14 : memref<80x128xf32, #tpu.memory_space<vmem>>)
      %dma_wait3A_121 = tpu.memref_slice %arg11[%mul3A_108] : memref<10000xi32, #tpu.memory_space<vmem>> -> memref<80xi32, #tpu.memory_space<vmem>>
      %dma_wait3A_122 = arith.constant 0 : i32
      %dma_wait3A_123 = arith.constant 0 : i32
      %dma_wait3A_124 = tpu.memref_slice %arg4[%dma_wait3A_122, %dma_wait3A_123] : memref<10000x128xf32, #tpu.memory_space<hbm>> -> memref<10000x128xf32, #tpu.memory_space<hbm>>
      tpu.wait_indirect_dma semaphore(%arg23 : memref<!tpu.dma_semaphore, #tpu.memory_space<semaphore_mem>>) src(%dma_wait3A_124 : memref<10000x128xf32, #tpu.memory_space<hbm>>) dst(%arg15 : memref<80x128xf32, #tpu.memory_space<vmem>>)
      %mul3A_125 = arith.constant 80 : i32
      %mul3A_126 = arith.muli %mul3A_104, %mul3A_125 : i32
      %add3A_127 = arith.addi %mul3A_2, %mul3A_126 : i32
      %dma_start3A_128 = arith.constant 0 : i32
      %dma_start3A_129 = tpu.memref_slice %arg6[%add3A_127, %dma_start3A_128] : memref<320000x128xf32, #tpu.memory_space<hbm>> -> memref<80x128xf32, #tpu.memory_space<hbm>>
      %dma_start3A_130 = arith.constant 0 : i32
      %dma_start3A_131 = tpu.memref_slice %arg6[%add3A_127, %dma_start3A_130] : memref<320000x128xf32, #tpu.memory_space<hbm>> -> memref<80x128xf32, #tpu.memory_space<hbm>>
      tpu.enqueue_dma source(%arg12 : memref<80x128xf32, #tpu.memory_space<vmem>>) target(%dma_start3A_131 : memref<80x128xf32, #tpu.memory_space<hbm>>) target_semaphore(%arg28 : memref<!tpu.dma_semaphore, #tpu.memory_space<semaphore_mem>>)
      %dma_start3A_132 = arith.constant 0 : i32
      %dma_start3A_133 = tpu.memref_slice %arg7[%add3A_127, %dma_start3A_132] : memref<320000x128xf32, #tpu.memory_space<hbm>> -> memref<80x128xf32, #tpu.memory_space<hbm>>
      %dma_start3A_134 = arith.constant 0 : i32
      %dma_start3A_135 = tpu.memref_slice %arg7[%add3A_127, %dma_start3A_134] : memref<320000x128xf32, #tpu.memory_space<hbm>> -> memref<80x128xf32, #tpu.memory_space<hbm>>
      tpu.enqueue_dma source(%arg13 : memref<80x128xf32, #tpu.memory_space<vmem>>) target(%dma_start3A_135 : memref<80x128xf32, #tpu.memory_space<hbm>>) target_semaphore(%arg29 : memref<!tpu.dma_semaphore, #tpu.memory_space<semaphore_mem>>)
      %dma_start3A_136 = arith.constant 0 : i32
      %dma_start3A_137 = tpu.memref_slice %arg8[%add3A_127, %dma_start3A_136] : memref<320000x128xf32, #tpu.memory_space<hbm>> -> memref<80x128xf32, #tpu.memory_space<hbm>>
      %dma_start3A_138 = arith.constant 0 : i32
      %dma_start3A_139 = tpu.memref_slice %arg8[%add3A_127, %dma_start3A_138] : memref<320000x128xf32, #tpu.memory_space<hbm>> -> memref<80x128xf32, #tpu.memory_space<hbm>>
      tpu.enqueue_dma source(%arg14 : memref<80x128xf32, #tpu.memory_space<vmem>>) target(%dma_start3A_139 : memref<80x128xf32, #tpu.memory_space<hbm>>) target_semaphore(%arg30 : memref<!tpu.dma_semaphore, #tpu.memory_space<semaphore_mem>>)
      %dma_start3A_140 = arith.constant 0 : i32
      %dma_start3A_141 = tpu.memref_slice %arg9[%add3A_127, %dma_start3A_140] : memref<320000x128xf32, #tpu.memory_space<hbm>> -> memref<80x128xf32, #tpu.memory_space<hbm>>
      %dma_start3A_142 = arith.constant 0 : i32
      %dma_start3A_143 = tpu.memref_slice %arg9[%add3A_127, %dma_start3A_142] : memref<320000x128xf32, #tpu.memory_space<hbm>> -> memref<80x128xf32, #tpu.memory_space<hbm>>
      tpu.enqueue_dma source(%arg15 : memref<80x128xf32, #tpu.memory_space<vmem>>) target(%dma_start3A_143 : memref<80x128xf32, #tpu.memory_space<hbm>>) target_semaphore(%arg31 : memref<!tpu.dma_semaphore, #tpu.memory_space<semaphore_mem>>)
      %add3A_144 = arith.constant 1 : i32
      %add3A_145 = arith.addi %mul3A_104, %add3A_144 : i32
      %mul3A_146 = arith.constant 80 : i32
      %mul3A_147 = arith.muli %add3A_145, %mul3A_146 : i32
      %mul3A_148 = arith.constant 80 : i32
      %mul3A_149 = arith.muli %add3A_145, %mul3A_148 : i32
      %dma_wait3A_150 = tpu.memref_slice %arg10[%mul3A_147] : memref<10000xi32, #tpu.memory_space<vmem>> -> memref<80xi32, #tpu.memory_space<vmem>>
      %dma_wait3A_151 = arith.constant 0 : i32
      %dma_wait3A_152 = arith.constant 0 : i32
      %dma_wait3A_153 = tpu.memref_slice %arg5[%dma_wait3A_151, %dma_wait3A_152] : memref<10000x128xf32, #tpu.memory_space<hbm>> -> memref<10000x128xf32, #tpu.memory_space<hbm>>
      tpu.wait_indirect_dma semaphore(%arg24 : memref<!tpu.dma_semaphore, #tpu.memory_space<semaphore_mem>>) src(%dma_wait3A_153 : memref<10000x128xf32, #tpu.memory_space<hbm>>) dst(%arg16 : memref<80x128xf32, #tpu.memory_space<vmem>>)
      %dma_wait3A_154 = tpu.memref_slice %arg11[%mul3A_149] : memref<10000xi32, #tpu.memory_space<vmem>> -> memref<80xi32, #tpu.memory_space<vmem>>
      %dma_wait3A_155 = arith.constant 0 : i32
      %dma_wait3A_156 = arith.constant 0 : i32
      %dma_wait3A_157 = tpu.memref_slice %arg5[%dma_wait3A_155, %dma_wait3A_156] : memref<10000x128xf32, #tpu.memory_space<hbm>> -> memref<10000x128xf32, #tpu.memory_space<hbm>>
      tpu.wait_indirect_dma semaphore(%arg25 : memref<!tpu.dma_semaphore, #tpu.memory_space<semaphore_mem>>) src(%dma_wait3A_157 : memref<10000x128xf32, #tpu.memory_space<hbm>>) dst(%arg17 : memref<80x128xf32, #tpu.memory_space<vmem>>)
      %dma_wait3A_158 = tpu.memref_slice %arg10[%mul3A_147] : memref<10000xi32, #tpu.memory_space<vmem>> -> memref<80xi32, #tpu.memory_space<vmem>>
      %dma_wait3A_159 = arith.constant 0 : i32
      %dma_wait3A_160 = arith.constant 0 : i32
      %dma_wait3A_161 = tpu.memref_slice %arg4[%dma_wait3A_159, %dma_wait3A_160] : memref<10000x128xf32, #tpu.memory_space<hbm>> -> memref<10000x128xf32, #tpu.memory_space<hbm>>
      tpu.wait_indirect_dma semaphore(%arg26 : memref<!tpu.dma_semaphore, #tpu.memory_space<semaphore_mem>>) src(%dma_wait3A_161 : memref<10000x128xf32, #tpu.memory_space<hbm>>) dst(%arg18 : memref<80x128xf32, #tpu.memory_space<vmem>>)
      %dma_wait3A_162 = tpu.memref_slice %arg11[%mul3A_149] : memref<10000xi32, #tpu.memory_space<vmem>> -> memref<80xi32, #tpu.memory_space<vmem>>
      %dma_wait3A_163 = arith.constant 0 : i32
      %dma_wait3A_164 = arith.constant 0 : i32
      %dma_wait3A_165 = tpu.memref_slice %arg4[%dma_wait3A_163, %dma_wait3A_164] : memref<10000x128xf32, #tpu.memory_space<hbm>> -> memref<10000x128xf32, #tpu.memory_space<hbm>>
      tpu.wait_indirect_dma semaphore(%arg27 : memref<!tpu.dma_semaphore, #tpu.memory_space<semaphore_mem>>) src(%dma_wait3A_165 : memref<10000x128xf32, #tpu.memory_space<hbm>>) dst(%arg19 : memref<80x128xf32, #tpu.memory_space<vmem>>)
      %add3A_166 = arith.constant 1 : i32
      %add3A_167 = arith.addi %mul3A_104, %add3A_166 : i32
      %mul3A_168 = arith.constant 80 : i32
      %mul3A_169 = arith.muli %add3A_167, %mul3A_168 : i32
      %add3A_170 = arith.addi %mul3A_2, %mul3A_169 : i32
      %dma_start3A_171 = arith.constant 0 : i32
      %dma_start3A_172 = tpu.memref_slice %arg6[%add3A_170, %dma_start3A_171] : memref<320000x128xf32, #tpu.memory_space<hbm>> -> memref<80x128xf32, #tpu.memory_space<hbm>>
      %dma_start3A_173 = arith.constant 0 : i32
      %dma_start3A_174 = tpu.memref_slice %arg6[%add3A_170, %dma_start3A_173] : memref<320000x128xf32, #tpu.memory_space<hbm>> -> memref<80x128xf32, #tpu.memory_space<hbm>>
      tpu.enqueue_dma source(%arg16 : memref<80x128xf32, #tpu.memory_space<vmem>>) target(%dma_start3A_174 : memref<80x128xf32, #tpu.memory_space<hbm>>) target_semaphore(%arg32 : memref<!tpu.dma_semaphore, #tpu.memory_space<semaphore_mem>>)
      %dma_start3A_175 = arith.constant 0 : i32
      %dma_start3A_176 = tpu.memref_slice %arg7[%add3A_170, %dma_start3A_175] : memref<320000x128xf32, #tpu.memory_space<hbm>> -> memref<80x128xf32, #tpu.memory_space<hbm>>
      %dma_start3A_177 = arith.constant 0 : i32
      %dma_start3A_178 = tpu.memref_slice %arg7[%add3A_170, %dma_start3A_177] : memref<320000x128xf32, #tpu.memory_space<hbm>> -> memref<80x128xf32, #tpu.memory_space<hbm>>
      tpu.enqueue_dma source(%arg17 : memref<80x128xf32, #tpu.memory_space<vmem>>) target(%dma_start3A_178 : memref<80x128xf32, #tpu.memory_space<hbm>>) target_semaphore(%arg33 : memref<!tpu.dma_semaphore, #tpu.memory_space<semaphore_mem>>)
      %dma_start3A_179 = arith.constant 0 : i32
      %dma_start3A_180 = tpu.memref_slice %arg8[%add3A_170, %dma_start3A_179] : memref<320000x128xf32, #tpu.memory_space<hbm>> -> memref<80x128xf32, #tpu.memory_space<hbm>>
      %dma_start3A_181 = arith.constant 0 : i32
      %dma_start3A_182 = tpu.memref_slice %arg8[%add3A_170, %dma_start3A_181] : memref<320000x128xf32, #tpu.memory_space<hbm>> -> memref<80x128xf32, #tpu.memory_space<hbm>>
      tpu.enqueue_dma source(%arg18 : memref<80x128xf32, #tpu.memory_space<vmem>>) target(%dma_start3A_182 : memref<80x128xf32, #tpu.memory_space<hbm>>) target_semaphore(%arg34 : memref<!tpu.dma_semaphore, #tpu.memory_space<semaphore_mem>>)
      %dma_start3A_183 = arith.constant 0 : i32
      %dma_start3A_184 = tpu.memref_slice %arg9[%add3A_170, %dma_start3A_183] : memref<320000x128xf32, #tpu.memory_space<hbm>> -> memref<80x128xf32, #tpu.memory_space<hbm>>
      %dma_start3A_185 = arith.constant 0 : i32
      %dma_start3A_186 = tpu.memref_slice %arg9[%add3A_170, %dma_start3A_185] : memref<320000x128xf32, #tpu.memory_space<hbm>> -> memref<80x128xf32, #tpu.memory_space<hbm>>
      tpu.enqueue_dma source(%arg19 : memref<80x128xf32, #tpu.memory_space<vmem>>) target(%dma_start3A_186 : memref<80x128xf32, #tpu.memory_space<hbm>>) target_semaphore(%arg35 : memref<!tpu.dma_semaphore, #tpu.memory_space<semaphore_mem>>)
      %mul3A_187 = arith.constant 80 : i32
      %mul3A_188 = arith.muli %mul3A_104, %mul3A_187 : i32
      %add3A_189 = arith.addi %mul3A_2, %mul3A_188 : i32
      %dma_wait3A_190 = arith.constant 0 : i32
      %dma_wait3A_191 = tpu.memref_slice %arg6[%add3A_189, %dma_wait3A_190] : memref<320000x128xf32, #tpu.memory_space<hbm>> -> memref<80x128xf32, #tpu.memory_space<hbm>>
      %dma_wait3A_192 = arith.constant 0 : i32
      %dma_wait3A_193 = tpu.memref_slice %arg6[%add3A_189, %dma_wait3A_192] : memref<320000x128xf32, #tpu.memory_space<hbm>> -> memref<80x128xf32, #tpu.memory_space<hbm>>
      tpu.wait_dma2 semaphore(%arg28 : memref<!tpu.dma_semaphore, #tpu.memory_space<semaphore_mem>>) src(%arg12 : memref<80x128xf32, #tpu.memory_space<vmem>>) dst(%dma_wait3A_193 : memref<80x128xf32, #tpu.memory_space<hbm>>)
      %dma_wait3A_194 = arith.constant 0 : i32
      %dma_wait3A_195 = tpu.memref_slice %arg7[%add3A_189, %dma_wait3A_194] : memref<320000x128xf32, #tpu.memory_space<hbm>> -> memref<80x128xf32, #tpu.memory_space<hbm>>
      %dma_wait3A_196 = arith.constant 0 : i32
      %dma_wait3A_197 = tpu.memref_slice %arg7[%add3A_189, %dma_wait3A_196] : memref<320000x128xf32, #tpu.memory_space<hbm>> -> memref<80x128xf32, #tpu.memory_space<hbm>>
      tpu.wait_dma2 semaphore(%arg29 : memref<!tpu.dma_semaphore, #tpu.memory_space<semaphore_mem>>) src(%arg13 : memref<80x128xf32, #tpu.memory_space<vmem>>) dst(%dma_wait3A_197 : memref<80x128xf32, #tpu.memory_space<hbm>>)
      %dma_wait3A_198 = arith.constant 0 : i32
      %dma_wait3A_199 = tpu.memref_slice %arg8[%add3A_189, %dma_wait3A_198] : memref<320000x128xf32, #tpu.memory_space<hbm>> -> memref<80x128xf32, #tpu.memory_space<hbm>>
      %dma_wait3A_200 = arith.constant 0 : i32
      %dma_wait3A_201 = tpu.memref_slice %arg8[%add3A_189, %dma_wait3A_200] : memref<320000x128xf32, #tpu.memory_space<hbm>> -> memref<80x128xf32, #tpu.memory_space<hbm>>
      tpu.wait_dma2 semaphore(%arg30 : memref<!tpu.dma_semaphore, #tpu.memory_space<semaphore_mem>>) src(%arg14 : memref<80x128xf32, #tpu.memory_space<vmem>>) dst(%dma_wait3A_201 : memref<80x128xf32, #tpu.memory_space<hbm>>)
      %dma_wait3A_202 = arith.constant 0 : i32
      %dma_wait3A_203 = tpu.memref_slice %arg9[%add3A_189, %dma_wait3A_202] : memref<320000x128xf32, #tpu.memory_space<hbm>> -> memref<80x128xf32, #tpu.memory_space<hbm>>
      %dma_wait3A_204 = arith.constant 0 : i32
      %dma_wait3A_205 = tpu.memref_slice %arg9[%add3A_189, %dma_wait3A_204] : memref<320000x128xf32, #tpu.memory_space<hbm>> -> memref<80x128xf32, #tpu.memory_space<hbm>>
      tpu.wait_dma2 semaphore(%arg31 : memref<!tpu.dma_semaphore, #tpu.memory_space<semaphore_mem>>) src(%arg15 : memref<80x128xf32, #tpu.memory_space<vmem>>) dst(%dma_wait3A_205 : memref<80x128xf32, #tpu.memory_space<hbm>>)
      %add3A_206 = arith.constant 2 : i32
      %add3A_207 = arith.addi %mul3A_104, %add3A_206 : i32
      %lt3A = arith.constant 125 : i32
      %lt3A_208 = arith.cmpi slt, %add3A_207, %lt3A : i32
      %convert_element_type3A = arith.extui %lt3A_208 : i1 to i32
      %cond3A = arith.constant 0 : i32
      %cond3A_209 = arith.cmpi ne, %convert_element_type3A, %cond3A : i32
      scf.if %cond3A_209 {
        %add3A_238 = arith.constant 2 : i32
        %add3A_239 = arith.addi %mul3A_104, %add3A_238 : i32
        %mul3A_240 = arith.constant 80 : i32
        %mul3A_241 = arith.muli %add3A_239, %mul3A_240 : i32
        %mul3A_242 = arith.constant 80 : i32
        %mul3A_243 = arith.muli %add3A_239, %mul3A_242 : i32
        %dma_start3A_244 = tpu.memref_slice %arg10[%mul3A_241] : memref<10000xi32, #tpu.memory_space<vmem>> -> memref<80xi32, #tpu.memory_space<vmem>>
        %dma_start3A_245 = arith.constant 0 : i32
        %dma_start3A_246 = arith.constant 0 : i32
        %dma_start3A_247 = tpu.memref_slice %arg5[%dma_start3A_245, %dma_start3A_246] : memref<10000x128xf32, #tpu.memory_space<hbm>> -> memref<10000x128xf32, #tpu.memory_space<hbm>>
        tpu.enqueue_indirect_dma source(%dma_start3A_247 : memref<10000x128xf32, #tpu.memory_space<hbm>>) target(%arg12 : memref<80x128xf32, #tpu.memory_space<vmem>>) offsets(%dma_start3A_244 : memref<80xi32, #tpu.memory_space<vmem>>) semaphore(%arg20 : memref<!tpu.dma_semaphore, #tpu.memory_space<semaphore_mem>>)
        %dma_start3A_248 = tpu.memref_slice %arg11[%mul3A_243] : memref<10000xi32, #tpu.memory_space<vmem>> -> memref<80xi32, #tpu.memory_space<vmem>>
        %dma_start3A_249 = arith.constant 0 : i32
        %dma_start3A_250 = arith.constant 0 : i32
        %dma_start3A_251 = tpu.memref_slice %arg5[%dma_start3A_249, %dma_start3A_250] : memref<10000x128xf32, #tpu.memory_space<hbm>> -> memref<10000x128xf32, #tpu.memory_space<hbm>>
        tpu.enqueue_indirect_dma source(%dma_start3A_251 : memref<10000x128xf32, #tpu.memory_space<hbm>>) target(%arg13 : memref<80x128xf32, #tpu.memory_space<vmem>>) offsets(%dma_start3A_248 : memref<80xi32, #tpu.memory_space<vmem>>) semaphore(%arg21 : memref<!tpu.dma_semaphore, #tpu.memory_space<semaphore_mem>>)
        %dma_start3A_252 = tpu.memref_slice %arg10[%mul3A_241] : memref<10000xi32, #tpu.memory_space<vmem>> -> memref<80xi32, #tpu.memory_space<vmem>>
        %dma_start3A_253 = arith.constant 0 : i32
        %dma_start3A_254 = arith.constant 0 : i32
        %dma_start3A_255 = tpu.memref_slice %arg4[%dma_start3A_253, %dma_start3A_254] : memref<10000x128xf32, #tpu.memory_space<hbm>> -> memref<10000x128xf32, #tpu.memory_space<hbm>>
        tpu.enqueue_indirect_dma source(%dma_start3A_255 : memref<10000x128xf32, #tpu.memory_space<hbm>>) target(%arg14 : memref<80x128xf32, #tpu.memory_space<vmem>>) offsets(%dma_start3A_252 : memref<80xi32, #tpu.memory_space<vmem>>) semaphore(%arg22 : memref<!tpu.dma_semaphore, #tpu.memory_space<semaphore_mem>>)
        %dma_start3A_256 = tpu.memref_slice %arg11[%mul3A_243] : memref<10000xi32, #tpu.memory_space<vmem>> -> memref<80xi32, #tpu.memory_space<vmem>>
        %dma_start3A_257 = arith.constant 0 : i32
        %dma_start3A_258 = arith.constant 0 : i32
        %dma_start3A_259 = tpu.memref_slice %arg4[%dma_start3A_257, %dma_start3A_258] : memref<10000x128xf32, #tpu.memory_space<hbm>> -> memref<10000x128xf32, #tpu.memory_space<hbm>>
        tpu.enqueue_indirect_dma source(%dma_start3A_259 : memref<10000x128xf32, #tpu.memory_space<hbm>>) target(%arg15 : memref<80x128xf32, #tpu.memory_space<vmem>>) offsets(%dma_start3A_256 : memref<80xi32, #tpu.memory_space<vmem>>) semaphore(%arg23 : memref<!tpu.dma_semaphore, #tpu.memory_space<semaphore_mem>>)
      } else {
      }
      %add3A_210 = arith.constant 1 : i32
      %add3A_211 = arith.addi %mul3A_104, %add3A_210 : i32
      %mul3A_212 = arith.constant 80 : i32
      %mul3A_213 = arith.muli %add3A_211, %mul3A_212 : i32
      %add3A_214 = arith.addi %mul3A_2, %mul3A_213 : i32
      %dma_wait3A_215 = arith.constant 0 : i32
      %dma_wait3A_216 = tpu.memref_slice %arg6[%add3A_214, %dma_wait3A_215] : memref<320000x128xf32, #tpu.memory_space<hbm>> -> memref<80x128xf32, #tpu.memory_space<hbm>>
      %dma_wait3A_217 = arith.constant 0 : i32
      %dma_wait3A_218 = tpu.memref_slice %arg6[%add3A_214, %dma_wait3A_217] : memref<320000x128xf32, #tpu.memory_space<hbm>> -> memref<80x128xf32, #tpu.memory_space<hbm>>
      tpu.wait_dma2 semaphore(%arg32 : memref<!tpu.dma_semaphore, #tpu.memory_space<semaphore_mem>>) src(%arg16 : memref<80x128xf32, #tpu.memory_space<vmem>>) dst(%dma_wait3A_218 : memref<80x128xf32, #tpu.memory_space<hbm>>)
      %dma_wait3A_219 = arith.constant 0 : i32
      %dma_wait3A_220 = tpu.memref_slice %arg7[%add3A_214, %dma_wait3A_219] : memref<320000x128xf32, #tpu.memory_space<hbm>> -> memref<80x128xf32, #tpu.memory_space<hbm>>
      %dma_wait3A_221 = arith.constant 0 : i32
      %dma_wait3A_222 = tpu.memref_slice %arg7[%add3A_214, %dma_wait3A_221] : memref<320000x128xf32, #tpu.memory_space<hbm>> -> memref<80x128xf32, #tpu.memory_space<hbm>>
      tpu.wait_dma2 semaphore(%arg33 : memref<!tpu.dma_semaphore, #tpu.memory_space<semaphore_mem>>) src(%arg17 : memref<80x128xf32, #tpu.memory_space<vmem>>) dst(%dma_wait3A_222 : memref<80x128xf32, #tpu.memory_space<hbm>>)
      %dma_wait3A_223 = arith.constant 0 : i32
      %dma_wait3A_224 = tpu.memref_slice %arg8[%add3A_214, %dma_wait3A_223] : memref<320000x128xf32, #tpu.memory_space<hbm>> -> memref<80x128xf32, #tpu.memory_space<hbm>>
      %dma_wait3A_225 = arith.constant 0 : i32
      %dma_wait3A_226 = tpu.memref_slice %arg8[%add3A_214, %dma_wait3A_225] : memref<320000x128xf32, #tpu.memory_space<hbm>> -> memref<80x128xf32, #tpu.memory_space<hbm>>
      tpu.wait_dma2 semaphore(%arg34 : memref<!tpu.dma_semaphore, #tpu.memory_space<semaphore_mem>>) src(%arg18 : memref<80x128xf32, #tpu.memory_space<vmem>>) dst(%dma_wait3A_226 : memref<80x128xf32, #tpu.memory_space<hbm>>)
      %dma_wait3A_227 = arith.constant 0 : i32
      %dma_wait3A_228 = tpu.memref_slice %arg9[%add3A_214, %dma_wait3A_227] : memref<320000x128xf32, #tpu.memory_space<hbm>> -> memref<80x128xf32, #tpu.memory_space<hbm>>
      %dma_wait3A_229 = arith.constant 0 : i32
      %dma_wait3A_230 = tpu.memref_slice %arg9[%add3A_214, %dma_wait3A_229] : memref<320000x128xf32, #tpu.memory_space<hbm>> -> memref<80x128xf32, #tpu.memory_space<hbm>>
      tpu.wait_dma2 semaphore(%arg35 : memref<!tpu.dma_semaphore, #tpu.memory_space<semaphore_mem>>) src(%arg19 : memref<80x128xf32, #tpu.memory_space<vmem>>) dst(%dma_wait3A_230 : memref<80x128xf32, #tpu.memory_space<hbm>>)
      %add3A_231 = arith.constant 3 : i32
      %add3A_232 = arith.addi %mul3A_104, %add3A_231 : i32
      %lt3A_233 = arith.constant 125 : i32
      %lt3A_234 = arith.cmpi slt, %add3A_232, %lt3A_233 : i32
      %convert_element_type3A_235 = arith.extui %lt3A_234 : i1 to i32
      %cond3A_236 = arith.constant 0 : i32
      %cond3A_237 = arith.cmpi ne, %convert_element_type3A_235, %cond3A_236 : i32
      scf.if %cond3A_237 {
        %add3A_238 = arith.constant 3 : i32
        %add3A_239 = arith.addi %mul3A_104, %add3A_238 : i32
        %mul3A_240 = arith.constant 80 : i32
        %mul3A_241 = arith.muli %add3A_239, %mul3A_240 : i32
        %mul3A_242 = arith.constant 80 : i32
        %mul3A_243 = arith.muli %add3A_239, %mul3A_242 : i32
        %dma_start3A_244 = tpu.memref_slice %arg10[%mul3A_241] : memref<10000xi32, #tpu.memory_space<vmem>> -> memref<80xi32, #tpu.memory_space<vmem>>
        %dma_start3A_245 = arith.constant 0 : i32
        %dma_start3A_246 = arith.constant 0 : i32
        %dma_start3A_247 = tpu.memref_slice %arg5[%dma_start3A_245, %dma_start3A_246] : memref<10000x128xf32, #tpu.memory_space<hbm>> -> memref<10000x128xf32, #tpu.memory_space<hbm>>
        tpu.enqueue_indirect_dma source(%dma_start3A_247 : memref<10000x128xf32, #tpu.memory_space<hbm>>) target(%arg16 : memref<80x128xf32, #tpu.memory_space<vmem>>) offsets(%dma_start3A_244 : memref<80xi32, #tpu.memory_space<vmem>>) semaphore(%arg24 : memref<!tpu.dma_semaphore, #tpu.memory_space<semaphore_mem>>)
        %dma_start3A_248 = tpu.memref_slice %arg11[%mul3A_243] : memref<10000xi32, #tpu.memory_space<vmem>> -> memref<80xi32, #tpu.memory_space<vmem>>
        %dma_start3A_249 = arith.constant 0 : i32
        %dma_start3A_250 = arith.constant 0 : i32
        %dma_start3A_251 = tpu.memref_slice %arg5[%dma_start3A_249, %dma_start3A_250] : memref<10000x128xf32, #tpu.memory_space<hbm>> -> memref<10000x128xf32, #tpu.memory_space<hbm>>
        tpu.enqueue_indirect_dma source(%dma_start3A_251 : memref<10000x128xf32, #tpu.memory_space<hbm>>) target(%arg17 : memref<80x128xf32, #tpu.memory_space<vmem>>) offsets(%dma_start3A_248 : memref<80xi32, #tpu.memory_space<vmem>>) semaphore(%arg25 : memref<!tpu.dma_semaphore, #tpu.memory_space<semaphore_mem>>)
        %dma_start3A_252 = tpu.memref_slice %arg10[%mul3A_241] : memref<10000xi32, #tpu.memory_space<vmem>> -> memref<80xi32, #tpu.memory_space<vmem>>
        %dma_start3A_253 = arith.constant 0 : i32
        %dma_start3A_254 = arith.constant 0 : i32
        %dma_start3A_255 = tpu.memref_slice %arg4[%dma_start3A_253, %dma_start3A_254] : memref<10000x128xf32, #tpu.memory_space<hbm>> -> memref<10000x128xf32, #tpu.memory_space<hbm>>
        tpu.enqueue_indirect_dma source(%dma_start3A_255 : memref<10000x128xf32, #tpu.memory_space<hbm>>) target(%arg18 : memref<80x128xf32, #tpu.memory_space<vmem>>) offsets(%dma_start3A_252 : memref<80xi32, #tpu.memory_space<vmem>>) semaphore(%arg26 : memref<!tpu.dma_semaphore, #tpu.memory_space<semaphore_mem>>)
        %dma_start3A_256 = tpu.memref_slice %arg11[%mul3A_243] : memref<10000xi32, #tpu.memory_space<vmem>> -> memref<80xi32, #tpu.memory_space<vmem>>
        %dma_start3A_257 = arith.constant 0 : i32
        %dma_start3A_258 = arith.constant 0 : i32
        %dma_start3A_259 = tpu.memref_slice %arg4[%dma_start3A_257, %dma_start3A_258] : memref<10000x128xf32, #tpu.memory_space<hbm>> -> memref<10000x128xf32, #tpu.memory_space<hbm>>
        tpu.enqueue_indirect_dma source(%dma_start3A_259 : memref<10000x128xf32, #tpu.memory_space<hbm>>) target(%arg19 : memref<80x128xf32, #tpu.memory_space<vmem>>) offsets(%dma_start3A_256 : memref<80xi32, #tpu.memory_space<vmem>>) semaphore(%arg27 : memref<!tpu.dma_semaphore, #tpu.memory_space<semaphore_mem>>)
      } else {
      }
    }
    %scan3A_46 = arith.constant 62 : i32
    %dma_wait3A = arith.constant 9920 : i32
    %dma_wait3A_47 = tpu.memref_slice %arg10[%dma_wait3A] : memref<10000xi32, #tpu.memory_space<vmem>> -> memref<80xi32, #tpu.memory_space<vmem>>
    %dma_wait3A_48 = arith.constant 0 : i32
    %dma_wait3A_49 = arith.constant 0 : i32
    %dma_wait3A_50 = tpu.memref_slice %arg5[%dma_wait3A_48, %dma_wait3A_49] : memref<10000x128xf32, #tpu.memory_space<hbm>> -> memref<10000x128xf32, #tpu.memory_space<hbm>>
    tpu.wait_indirect_dma semaphore(%arg20 : memref<!tpu.dma_semaphore, #tpu.memory_space<semaphore_mem>>) src(%dma_wait3A_50 : memref<10000x128xf32, #tpu.memory_space<hbm>>) dst(%arg12 : memref<80x128xf32, #tpu.memory_space<vmem>>)
    %dma_wait3A_51 = arith.constant 9920 : i32
    %dma_wait3A_52 = tpu.memref_slice %arg11[%dma_wait3A_51] : memref<10000xi32, #tpu.memory_space<vmem>> -> memref<80xi32, #tpu.memory_space<vmem>>
    %dma_wait3A_53 = arith.constant 0 : i32
    %dma_wait3A_54 = arith.constant 0 : i32
    %dma_wait3A_55 = tpu.memref_slice %arg5[%dma_wait3A_53, %dma_wait3A_54] : memref<10000x128xf32, #tpu.memory_space<hbm>> -> memref<10000x128xf32, #tpu.memory_space<hbm>>
    tpu.wait_indirect_dma semaphore(%arg21 : memref<!tpu.dma_semaphore, #tpu.memory_space<semaphore_mem>>) src(%dma_wait3A_55 : memref<10000x128xf32, #tpu.memory_space<hbm>>) dst(%arg13 : memref<80x128xf32, #tpu.memory_space<vmem>>)
    %dma_wait3A_56 = arith.constant 9920 : i32
    %dma_wait3A_57 = tpu.memref_slice %arg10[%dma_wait3A_56] : memref<10000xi32, #tpu.memory_space<vmem>> -> memref<80xi32, #tpu.memory_space<vmem>>
    %dma_wait3A_58 = arith.constant 0 : i32
    %dma_wait3A_59 = arith.constant 0 : i32
    %dma_wait3A_60 = tpu.memref_slice %arg4[%dma_wait3A_58, %dma_wait3A_59] : memref<10000x128xf32, #tpu.memory_space<hbm>> -> memref<10000x128xf32, #tpu.memory_space<hbm>>
    tpu.wait_indirect_dma semaphore(%arg22 : memref<!tpu.dma_semaphore, #tpu.memory_space<semaphore_mem>>) src(%dma_wait3A_60 : memref<10000x128xf32, #tpu.memory_space<hbm>>) dst(%arg14 : memref<80x128xf32, #tpu.memory_space<vmem>>)
    %dma_wait3A_61 = arith.constant 9920 : i32
    %dma_wait3A_62 = tpu.memref_slice %arg11[%dma_wait3A_61] : memref<10000xi32, #tpu.memory_space<vmem>> -> memref<80xi32, #tpu.memory_space<vmem>>
    %dma_wait3A_63 = arith.constant 0 : i32
    %dma_wait3A_64 = arith.constant 0 : i32
    %dma_wait3A_65 = tpu.memref_slice %arg4[%dma_wait3A_63, %dma_wait3A_64] : memref<10000x128xf32, #tpu.memory_space<hbm>> -> memref<10000x128xf32, #tpu.memory_space<hbm>>
    tpu.wait_indirect_dma semaphore(%arg23 : memref<!tpu.dma_semaphore, #tpu.memory_space<semaphore_mem>>) src(%dma_wait3A_65 : memref<10000x128xf32, #tpu.memory_space<hbm>>) dst(%arg15 : memref<80x128xf32, #tpu.memory_space<vmem>>)
    %add3A_66 = arith.constant 9920 : i32
    %add3A_67 = arith.addi %mul3A_2, %add3A_66 : i32
    %dma_start3A_68 = arith.constant 0 : i32
    %dma_start3A_69 = tpu.memref_slice %arg6[%add3A_67, %dma_start3A_68] : memref<320000x128xf32, #tpu.memory_space<hbm>> -> memref<80x128xf32, #tpu.memory_space<hbm>>
    %dma_start3A_70 = arith.constant 0 : i32
    %dma_start3A_71 = tpu.memref_slice %arg6[%add3A_67, %dma_start3A_70] : memref<320000x128xf32, #tpu.memory_space<hbm>> -> memref<80x128xf32, #tpu.memory_space<hbm>>
    tpu.enqueue_dma source(%arg12 : memref<80x128xf32, #tpu.memory_space<vmem>>) target(%dma_start3A_71 : memref<80x128xf32, #tpu.memory_space<hbm>>) target_semaphore(%arg28 : memref<!tpu.dma_semaphore, #tpu.memory_space<semaphore_mem>>)
    %dma_start3A_72 = arith.constant 0 : i32
    %dma_start3A_73 = tpu.memref_slice %arg7[%add3A_67, %dma_start3A_72] : memref<320000x128xf32, #tpu.memory_space<hbm>> -> memref<80x128xf32, #tpu.memory_space<hbm>>
    %dma_start3A_74 = arith.constant 0 : i32
    %dma_start3A_75 = tpu.memref_slice %arg7[%add3A_67, %dma_start3A_74] : memref<320000x128xf32, #tpu.memory_space<hbm>> -> memref<80x128xf32, #tpu.memory_space<hbm>>
    tpu.enqueue_dma source(%arg13 : memref<80x128xf32, #tpu.memory_space<vmem>>) target(%dma_start3A_75 : memref<80x128xf32, #tpu.memory_space<hbm>>) target_semaphore(%arg29 : memref<!tpu.dma_semaphore, #tpu.memory_space<semaphore_mem>>)
    %dma_start3A_76 = arith.constant 0 : i32
    %dma_start3A_77 = tpu.memref_slice %arg8[%add3A_67, %dma_start3A_76] : memref<320000x128xf32, #tpu.memory_space<hbm>> -> memref<80x128xf32, #tpu.memory_space<hbm>>
    %dma_start3A_78 = arith.constant 0 : i32
    %dma_start3A_79 = tpu.memref_slice %arg8[%add3A_67, %dma_start3A_78] : memref<320000x128xf32, #tpu.memory_space<hbm>> -> memref<80x128xf32, #tpu.memory_space<hbm>>
    tpu.enqueue_dma source(%arg14 : memref<80x128xf32, #tpu.memory_space<vmem>>) target(%dma_start3A_79 : memref<80x128xf32, #tpu.memory_space<hbm>>) target_semaphore(%arg30 : memref<!tpu.dma_semaphore, #tpu.memory_space<semaphore_mem>>)
    %dma_start3A_80 = arith.constant 0 : i32
    %dma_start3A_81 = tpu.memref_slice %arg9[%add3A_67, %dma_start3A_80] : memref<320000x128xf32, #tpu.memory_space<hbm>> -> memref<80x128xf32, #tpu.memory_space<hbm>>
    %dma_start3A_82 = arith.constant 0 : i32
    %dma_start3A_83 = tpu.memref_slice %arg9[%add3A_67, %dma_start3A_82] : memref<320000x128xf32, #tpu.memory_space<hbm>> -> memref<80x128xf32, #tpu.memory_space<hbm>>
    tpu.enqueue_dma source(%arg15 : memref<80x128xf32, #tpu.memory_space<vmem>>) target(%dma_start3A_83 : memref<80x128xf32, #tpu.memory_space<hbm>>) target_semaphore(%arg31 : memref<!tpu.dma_semaphore, #tpu.memory_space<semaphore_mem>>)
    %add3A_84 = arith.constant 9920 : i32
    %add3A_85 = arith.addi %mul3A_2, %add3A_84 : i32
    %dma_wait3A_86 = arith.constant 0 : i32
    %dma_wait3A_87 = tpu.memref_slice %arg6[%add3A_85, %dma_wait3A_86] : memref<320000x128xf32, #tpu.memory_space<hbm>> -> memref<80x128xf32, #tpu.memory_space<hbm>>
    %dma_wait3A_88 = arith.constant 0 : i32
    %dma_wait3A_89 = tpu.memref_slice %arg6[%add3A_85, %dma_wait3A_88] : memref<320000x128xf32, #tpu.memory_space<hbm>> -> memref<80x128xf32, #tpu.memory_space<hbm>>
    tpu.wait_dma2 semaphore(%arg28 : memref<!tpu.dma_semaphore, #tpu.memory_space<semaphore_mem>>) src(%arg12 : memref<80x128xf32, #tpu.memory_space<vmem>>) dst(%dma_wait3A_89 : memref<80x128xf32, #tpu.memory_space<hbm>>)
    %dma_wait3A_90 = arith.constant 0 : i32
    %dma_wait3A_91 = tpu.memref_slice %arg7[%add3A_85, %dma_wait3A_90] : memref<320000x128xf32, #tpu.memory_space<hbm>> -> memref<80x128xf32, #tpu.memory_space<hbm>>
    %dma_wait3A_92 = arith.constant 0 : i32
    %dma_wait3A_93 = tpu.memref_slice %arg7[%add3A_85, %dma_wait3A_92] : memref<320000x128xf32, #tpu.memory_space<hbm>> -> memref<80x128xf32, #tpu.memory_space<hbm>>
    tpu.wait_dma2 semaphore(%arg29 : memref<!tpu.dma_semaphore, #tpu.memory_space<semaphore_mem>>) src(%arg13 : memref<80x128xf32, #tpu.memory_space<vmem>>) dst(%dma_wait3A_93 : memref<80x128xf32, #tpu.memory_space<hbm>>)
    %dma_wait3A_94 = arith.constant 0 : i32
    %dma_wait3A_95 = tpu.memref_slice %arg8[%add3A_85, %dma_wait3A_94] : memref<320000x128xf32, #tpu.memory_space<hbm>> -> memref<80x128xf32, #tpu.memory_space<hbm>>
    %dma_wait3A_96 = arith.constant 0 : i32
    %dma_wait3A_97 = tpu.memref_slice %arg8[%add3A_85, %dma_wait3A_96] : memref<320000x128xf32, #tpu.memory_space<hbm>> -> memref<80x128xf32, #tpu.memory_space<hbm>>
    tpu.wait_dma2 semaphore(%arg30 : memref<!tpu.dma_semaphore, #tpu.memory_space<semaphore_mem>>) src(%arg14 : memref<80x128xf32, #tpu.memory_space<vmem>>) dst(%dma_wait3A_97 : memref<80x128xf32, #tpu.memory_space<hbm>>)
    %dma_wait3A_98 = arith.constant 0 : i32
    %dma_wait3A_99 = tpu.memref_slice %arg9[%add3A_85, %dma_wait3A_98] : memref<320000x128xf32, #tpu.memory_space<hbm>> -> memref<80x128xf32, #tpu.memory_space<hbm>>
    %dma_wait3A_100 = arith.constant 0 : i32
    %dma_wait3A_101 = tpu.memref_slice %arg9[%add3A_85, %dma_wait3A_100] : memref<320000x128xf32, #tpu.memory_space<hbm>> -> memref<80x128xf32, #tpu.memory_space<hbm>>
    tpu.wait_dma2 semaphore(%arg31 : memref<!tpu.dma_semaphore, #tpu.memory_space<semaphore_mem>>) src(%arg15 : memref<80x128xf32, #tpu.memory_space<vmem>>) dst(%dma_wait3A_101 : memref<80x128xf32, #tpu.memory_space<hbm>>)
    return
  }
}

module attributes {stable_mosaic.version = 14 : i64} {
  func.func @_tail_body(%arg0: memref<2500x128xf32, #tpu.memory_space<vmem>>, %arg1: memref<2500x128xf32, #tpu.memory_space<vmem>>, %arg2: memref<2500x128xf32, #tpu.memory_space<vmem>>, %arg3: memref<2500x128xi32, #tpu.memory_space<vmem>>, %arg4: memref<1xf32, #tpu.memory_space<smem>>, %arg5: memref<1x1xf32, #tpu.memory_space<smem>>) attributes {dimension_semantics = [], scalar_prefetch = 0 : i64, scratch_operands = 0 : i64, tpu.core_type = #tpu.core_type<tc>} {
    %get3A = arith.constant 0 : index
    %get3A_0 = arith.constant 0 : index
    %get3A_1 = vector.load %arg0[%get3A, %get3A_0] : memref<2500x128xf32, #tpu.memory_space<vmem>>, vector<2500x128xf32>
    %get3A_2 = arith.constant 0 : index
    %get3A_3 = arith.constant 0 : index
    %get3A_4 = vector.load %arg1[%get3A_2, %get3A_3] : memref<2500x128xf32, #tpu.memory_space<vmem>>, vector<2500x128xf32>
    %get3A_5 = arith.constant 0 : index
    %get3A_6 = arith.constant 0 : index
    %get3A_7 = vector.load %arg2[%get3A_5, %get3A_6] : memref<2500x128xf32, #tpu.memory_space<vmem>>, vector<2500x128xf32>
    %get3A_8 = arith.constant 0 : index
    %get3A_9 = arith.constant 0 : index
    %get3A_10 = vector.load %arg3[%get3A_8, %get3A_9] : memref<2500x128xi32, #tpu.memory_space<vmem>>, vector<2500x128xi32>
    %ne3A = arith.constant 3 : i32
    %ne3A_11 = vector.broadcast %ne3A : i32 to vector<2500x128xi32>
    %ne3A_12 = arith.cmpi ne, %get3A_10, %ne3A_11 : vector<2500x128xi32>
    %convert_element_type3A = arith.extui %ne3A_12 : vector<2500x128xi1> to vector<2500x128xi32>
    %convert_element_type3A_13 = arith.sitofp %convert_element_type3A : vector<2500x128xi32> to vector<2500x128xf32>
    %max3A = arith.constant 0.000000e+00 : f32
    %max3A_14 = vector.broadcast %max3A : f32 to vector<2500x128xf32>
    %max3A_15 = arith.maximumf %get3A_7, %max3A_14 : vector<2500x128xf32>
    %mul3A = arith.mulf %get3A_7, %convert_element_type3A_13 : vector<2500x128xf32>
    %sub3A = arith.subf %max3A_15, %mul3A : vector<2500x128xf32>
    %abs3A = math.absf %get3A_7 : vector<2500x128xf32>
    %neg3A = arith.constant 0.000000e+00 : f32
    %neg3A_16 = vector.broadcast %neg3A : f32 to vector<2500x128xf32>
    %neg3A_17 = arith.subf %neg3A_16, %abs3A : vector<2500x128xf32>
    %exp3A = math.exp %neg3A_17 : vector<2500x128xf32>
    %log1p3A = math.log1p %exp3A : vector<2500x128xf32>
    %add3A = arith.addf %sub3A, %log1p3A : vector<2500x128xf32>
    %reduce_sum3A = vector.shape_cast %add3A : vector<2500x128xf32> to vector<1x2500x128xf32>
    %reduce_sum3A_18 = arith.constant dense<0.000000e+00> : vector<1xf32>
    %reduce_sum3A_19 = vector.multi_reduction <add>, %reduce_sum3A, %reduce_sum3A_18 [1, 2] : vector<1x2500x128xf32> to vector<1xf32>
    %reduce_sum3A_20 = vector.shape_cast %reduce_sum3A_19 : vector<1xf32> to vector<1x1x1xf32>
    %reduce_sum3A_21 = vector.extract %reduce_sum3A_20[0, 0, 0] : f32 from vector<1x1x1xf32>
    %mul3A_22 = arith.constant 3.125000e-06 : f32
    %mul3A_23 = arith.mulf %reduce_sum3A_21, %mul3A_22 : f32
    %mul3A_24 = arith.mulf %get3A_1, %get3A_1 : vector<2500x128xf32>
    %mul3A_25 = arith.mulf %get3A_4, %get3A_4 : vector<2500x128xf32>
    %add3A_26 = arith.constant 1.000000e+00 : f32
    %add3A_27 = vector.broadcast %add3A_26 : f32 to vector<2500x128xf32>
    %add3A_28 = arith.addf %get3A_4, %add3A_27 : vector<2500x128xf32>
    %integer_pow3A = arith.mulf %add3A_28, %add3A_28 : vector<2500x128xf32>
    %add3A_29 = arith.addf %mul3A_24, %integer_pow3A : vector<2500x128xf32>
    %sqrt3A = math.sqrt %add3A_29 : vector<2500x128xf32>
    %neg3A_30 = arith.constant 0.000000e+00 : f32
    %neg3A_31 = vector.broadcast %neg3A_30 : f32 to vector<2500x128xf32>
    %neg3A_32 = arith.subf %neg3A_31, %sqrt3A : vector<2500x128xf32>
    %sub3A_33 = arith.constant 1.000000e+00 : f32
    %sub3A_34 = vector.broadcast %sub3A_33 : f32 to vector<2500x128xf32>
    %sub3A_35 = arith.subf %get3A_4, %sub3A_34 : vector<2500x128xf32>
    %integer_pow3A_36 = arith.mulf %sub3A_35, %sub3A_35 : vector<2500x128xf32>
    %add3A_37 = arith.addf %mul3A_24, %integer_pow3A_36 : vector<2500x128xf32>
    %sqrt3A_38 = math.sqrt %add3A_37 : vector<2500x128xf32>
    %neg3A_39 = arith.constant 0.000000e+00 : f32
    %neg3A_40 = vector.broadcast %neg3A_39 : f32 to vector<2500x128xf32>
    %neg3A_41 = arith.subf %neg3A_40, %sqrt3A_38 : vector<2500x128xf32>
    %sub3A_42 = arith.constant 1.000000e+00 : f32
    %sub3A_43 = vector.broadcast %sub3A_42 : f32 to vector<2500x128xf32>
    %sub3A_44 = arith.subf %get3A_1, %sub3A_43 : vector<2500x128xf32>
    %integer_pow3A_45 = arith.mulf %sub3A_44, %sub3A_44 : vector<2500x128xf32>
    %add3A_46 = arith.addf %integer_pow3A_45, %mul3A_25 : vector<2500x128xf32>
    %sqrt3A_47 = math.sqrt %add3A_46 : vector<2500x128xf32>
    %neg3A_48 = arith.constant 0.000000e+00 : f32
    %neg3A_49 = vector.broadcast %neg3A_48 : f32 to vector<2500x128xf32>
    %neg3A_50 = arith.subf %neg3A_49, %sqrt3A_47 : vector<2500x128xf32>
    %add3A_51 = arith.addf %mul3A_24, %mul3A_25 : vector<2500x128xf32>
    %sqrt3A_52 = math.sqrt %add3A_51 : vector<2500x128xf32>
    %neg3A_53 = arith.constant 0.000000e+00 : f32
    %neg3A_54 = vector.broadcast %neg3A_53 : f32 to vector<2500x128xf32>
    %neg3A_55 = arith.subf %neg3A_54, %sqrt3A_52 : vector<2500x128xf32>
    %max3A_56 = arith.maximumf %neg3A_32, %neg3A_41 : vector<2500x128xf32>
    %max3A_57 = arith.maximumf %neg3A_50, %neg3A_55 : vector<2500x128xf32>
    %max3A_58 = arith.maximumf %max3A_56, %max3A_57 : vector<2500x128xf32>
    %sub3A_59 = arith.subf %neg3A_32, %max3A_58 : vector<2500x128xf32>
    %exp3A_60 = math.exp %sub3A_59 : vector<2500x128xf32>
    %sub3A_61 = arith.subf %neg3A_41, %max3A_58 : vector<2500x128xf32>
    %exp3A_62 = math.exp %sub3A_61 : vector<2500x128xf32>
    %add3A_63 = arith.addf %exp3A_60, %exp3A_62 : vector<2500x128xf32>
    %sub3A_64 = arith.subf %neg3A_50, %max3A_58 : vector<2500x128xf32>
    %exp3A_65 = math.exp %sub3A_64 : vector<2500x128xf32>
    %add3A_66 = arith.addf %add3A_63, %exp3A_65 : vector<2500x128xf32>
    %sub3A_67 = arith.subf %neg3A_55, %max3A_58 : vector<2500x128xf32>
    %exp3A_68 = math.exp %sub3A_67 : vector<2500x128xf32>
    %add3A_69 = arith.addf %add3A_66, %exp3A_68 : vector<2500x128xf32>
    %log3A = math.log %add3A_69 : vector<2500x128xf32>
    %add3A_70 = arith.addf %max3A_58, %log3A : vector<2500x128xf32>
    %eq3A = arith.constant 0 : i32
    %eq3A_71 = vector.broadcast %eq3A : i32 to vector<2500x128xi32>
    %eq3A_72 = arith.cmpi eq, %get3A_10, %eq3A_71 : vector<2500x128xi32>
    %eq3A_73 = arith.constant 1 : i32
    %eq3A_74 = vector.broadcast %eq3A_73 : i32 to vector<2500x128xi32>
    %eq3A_75 = arith.cmpi eq, %get3A_10, %eq3A_74 : vector<2500x128xi32>
    %eq3A_76 = arith.constant 2 : i32
    %eq3A_77 = vector.broadcast %eq3A_76 : i32 to vector<2500x128xi32>
    %eq3A_78 = arith.cmpi eq, %get3A_10, %eq3A_77 : vector<2500x128xi32>
    %select_n3A = arith.select %eq3A_78, %neg3A_50, %neg3A_55 : vector<2500x128xi1>, vector<2500x128xf32>
    %select_n3A_79 = arith.select %eq3A_75, %neg3A_41, %select_n3A : vector<2500x128xi1>, vector<2500x128xf32>
    %select_n3A_80 = arith.select %eq3A_72, %neg3A_32, %select_n3A_79 : vector<2500x128xi1>, vector<2500x128xf32>
    %eq3A_81 = arith.constant 3 : i32
    %eq3A_82 = vector.broadcast %eq3A_81 : i32 to vector<2500x128xi32>
    %eq3A_83 = arith.cmpi eq, %get3A_10, %eq3A_82 : vector<2500x128xi32>
    %jit3A = arith.constant 2.000000e-01 : f32
    %jit3A_84 = arith.constant 1.000000e+00 : f32
    %broadcast_in_dim3A = vector.broadcast %jit3A : f32 to vector<2500x128xf32>
    %broadcast_in_dim3A_85 = vector.broadcast %jit3A_84 : f32 to vector<2500x128xf32>
    %select_n3A_86 = arith.select %eq3A_83, %broadcast_in_dim3A, %broadcast_in_dim3A_85 : vector<2500x128xi1>, vector<2500x128xf32>
    %sub3A_87 = arith.subf %add3A_70, %select_n3A_80 : vector<2500x128xf32>
    %mul3A_88 = arith.mulf %select_n3A_86, %sub3A_87 : vector<2500x128xf32>
    %reduce_sum3A_89 = vector.shape_cast %mul3A_88 : vector<2500x128xf32> to vector<1x2500x128xf32>
    %reduce_sum3A_90 = arith.constant dense<0.000000e+00> : vector<1xf32>
    %reduce_sum3A_91 = vector.multi_reduction <add>, %reduce_sum3A_89, %reduce_sum3A_90 [1, 2] : vector<1x2500x128xf32> to vector<1xf32>
    %reduce_sum3A_92 = vector.shape_cast %reduce_sum3A_91 : vector<1xf32> to vector<1x1x1xf32>
    %reduce_sum3A_93 = vector.extract %reduce_sum3A_92[0, 0, 0] : f32 from vector<1x1x1xf32>
    %mul3A_94 = arith.constant 3.125000e-06 : f32
    %mul3A_95 = arith.mulf %reduce_sum3A_93, %mul3A_94 : f32
    %get3A_96 = arith.constant 0 : index
    %get3A_97 = memref.load %arg4[%get3A_96] : memref<1xf32, #tpu.memory_space<smem>>
    %mul3A_98 = arith.mulf %get3A_97, %mul3A_23 : f32
    %add3A_99 = arith.addf %mul3A_95, %mul3A_98 : f32
    %swap3A = arith.constant 0 : index
    %swap3A_100 = arith.constant 0 : index
    %swap3A_101 = memref.load %arg5[%swap3A, %swap3A_100] : memref<1x1xf32, #tpu.memory_space<smem>>
    memref.store %add3A_99, %arg5[%swap3A, %swap3A_100] : memref<1x1xf32, #tpu.memory_space<smem>>
    return
  }
}

module attributes {stable_mosaic.version = 14 : i64} {
  func.func @_mid_body(%arg0: i32, %arg1: memref<2000x128xf32, #tpu.memory_space<vmem>>, %arg2: memref<2000x128xf32, #tpu.memory_space<vmem>>, %arg3: memref<2000x128xf32, #tpu.memory_space<vmem>>, %arg4: memref<2000x128xf32, #tpu.memory_space<vmem>>, %arg5: memref<2000x1xf32, #tpu.memory_space<vmem>>, %arg6: memref<2000x1xf32, #tpu.memory_space<vmem>>, %arg7: memref<2000x1xf32, #tpu.memory_space<vmem>>) attributes {dimension_semantics = [#tpu.dimension_semantics<arbitrary>], iteration_bounds = array<i64: 160>, scalar_prefetch = 0 : i64, scratch_operands = 0 : i64, tpu.core_type = #tpu.core_type<tc>, window_params = [{transform_indices = @transform_0, window_bounds = array<i64: 2000, 128>}, {transform_indices = @transform_1, window_bounds = array<i64: 2000, 128>}, {transform_indices = @transform_2, window_bounds = array<i64: 2000, 128>}, {transform_indices = @transform_3, window_bounds = array<i64: 2000, 128>}, {transform_indices = @transform_4, window_bounds = array<i64: 2000, 1>}, {transform_indices = @transform_5, window_bounds = array<i64: 2000, 1>}, {transform_indices = @transform_6, window_bounds = array<i64: 2000, 1>}]} {
    %get3A = arith.constant 0 : index
    %get3A_0 = arith.constant 0 : index
    %get3A_1 = vector.load %arg1[%get3A, %get3A_0] : memref<2000x128xf32, #tpu.memory_space<vmem>>, vector<2000x128xf32>
    %get3A_2 = arith.constant 0 : index
    %get3A_3 = arith.constant 0 : index
    %get3A_4 = vector.load %arg2[%get3A_2, %get3A_3] : memref<2000x128xf32, #tpu.memory_space<vmem>>, vector<2000x128xf32>
    %sub3A = arith.subf %get3A_1, %get3A_4 : vector<2000x128xf32>
    %get3A_5 = arith.constant 0 : index
    %get3A_6 = arith.constant 0 : index
    %get3A_7 = vector.load %arg3[%get3A_5, %get3A_6] : memref<2000x128xf32, #tpu.memory_space<vmem>>, vector<2000x128xf32>
    %get3A_8 = arith.constant 0 : index
    %get3A_9 = arith.constant 0 : index
    %get3A_10 = vector.load %arg4[%get3A_8, %get3A_9] : memref<2000x128xf32, #tpu.memory_space<vmem>>, vector<2000x128xf32>
    %mul3A = arith.mulf %get3A_7, %get3A_10 : vector<2000x128xf32>
    %mul3A_11 = arith.constant 0.159154937 : f32
    %mul3A_12 = vector.broadcast %mul3A_11 : f32 to vector<2000x128xf32>
    %mul3A_13 = arith.mulf %sub3A, %mul3A_12 : vector<2000x128xf32>
    %add3A = arith.constant 0x4B400000 : f32
    %add3A_14 = vector.broadcast %add3A : f32 to vector<2000x128xf32>
    %add3A_15 = arith.addf %mul3A_13, %add3A_14 : vector<2000x128xf32>
    %sub3A_16 = arith.constant 0x4B400000 : f32
    %sub3A_17 = vector.broadcast %sub3A_16 : f32 to vector<2000x128xf32>
    %sub3A_18 = arith.subf %add3A_15, %sub3A_17 : vector<2000x128xf32>
    %mul3A_19 = arith.constant 6.281250e+00 : f32
    %mul3A_20 = vector.broadcast %mul3A_19 : f32 to vector<2000x128xf32>
    %mul3A_21 = arith.mulf %sub3A_18, %mul3A_20 : vector<2000x128xf32>
    %sub3A_22 = arith.subf %sub3A, %mul3A_21 : vector<2000x128xf32>
    %mul3A_23 = arith.constant 0.00193530717 : f32
    %mul3A_24 = vector.broadcast %mul3A_23 : f32 to vector<2000x128xf32>
    %mul3A_25 = arith.mulf %sub3A_18, %mul3A_24 : vector<2000x128xf32>
    %sub3A_26 = arith.subf %sub3A_22, %mul3A_25 : vector<2000x128xf32>
    %mul3A_27 = arith.mulf %sub3A_26, %sub3A_26 : vector<2000x128xf32>
    %mul3A_28 = arith.constant 2.22487074E-6 : f32
    %mul3A_29 = vector.broadcast %mul3A_28 : f32 to vector<2000x128xf32>
    %mul3A_30 = arith.mulf %mul3A_29, %mul3A_27 : vector<2000x128xf32>
    %add3A_31 = arith.constant -1.9424154E-4 : f32
    %add3A_32 = vector.broadcast %add3A_31 : f32 to vector<2000x128xf32>
    %add3A_33 = arith.addf %mul3A_30, %add3A_32 : vector<2000x128xf32>
    %mul3A_34 = arith.mulf %add3A_33, %mul3A_27 : vector<2000x128xf32>
    %add3A_35 = arith.constant 0.00831984263 : f32
    %add3A_36 = vector.broadcast %add3A_35 : f32 to vector<2000x128xf32>
    %add3A_37 = arith.addf %mul3A_34, %add3A_36 : vector<2000x128xf32>
    %mul3A_38 = arith.mulf %add3A_37, %mul3A_27 : vector<2000x128xf32>
    %add3A_39 = arith.constant -0.166651458 : f32
    %add3A_40 = vector.broadcast %add3A_39 : f32 to vector<2000x128xf32>
    %add3A_41 = arith.addf %mul3A_38, %add3A_40 : vector<2000x128xf32>
    %mul3A_42 = arith.mulf %add3A_41, %mul3A_27 : vector<2000x128xf32>
    %add3A_43 = arith.constant 0.999997317 : f32
    %add3A_44 = vector.broadcast %add3A_43 : f32 to vector<2000x128xf32>
    %add3A_45 = arith.addf %mul3A_42, %add3A_44 : vector<2000x128xf32>
    %mul3A_46 = arith.mulf %sub3A_26, %add3A_45 : vector<2000x128xf32>
    %mul3A_47 = arith.constant -2.21939501E-7 : f32
    %mul3A_48 = vector.broadcast %mul3A_47 : f32 to vector<2000x128xf32>
    %mul3A_49 = arith.mulf %mul3A_48, %mul3A_27 : vector<2000x128xf32>
    %add3A_50 = arith.constant 2.42531933E-5 : f32
    %add3A_51 = vector.broadcast %add3A_50 : f32 to vector<2000x128xf32>
    %add3A_52 = arith.addf %mul3A_49, %add3A_51 : vector<2000x128xf32>
    %mul3A_53 = arith.mulf %add3A_52, %mul3A_27 : vector<2000x128xf32>
    %add3A_54 = arith.constant -0.0013862747 : f32
    %add3A_55 = vector.broadcast %add3A_54 : f32 to vector<2000x128xf32>
    %add3A_56 = arith.addf %mul3A_53, %add3A_55 : vector<2000x128xf32>
    %mul3A_57 = arith.mulf %add3A_56, %mul3A_27 : vector<2000x128xf32>
    %add3A_58 = arith.constant 0.0416610315 : f32
    %add3A_59 = vector.broadcast %add3A_58 : f32 to vector<2000x128xf32>
    %add3A_60 = arith.addf %mul3A_57, %add3A_59 : vector<2000x128xf32>
    %mul3A_61 = arith.mulf %add3A_60, %mul3A_27 : vector<2000x128xf32>
    %add3A_62 = arith.constant -0.499995589 : f32
    %add3A_63 = vector.broadcast %add3A_62 : f32 to vector<2000x128xf32>
    %add3A_64 = arith.addf %mul3A_61, %add3A_63 : vector<2000x128xf32>
    %mul3A_65 = arith.mulf %add3A_64, %mul3A_27 : vector<2000x128xf32>
    %add3A_66 = arith.constant 0.999999463 : f32
    %add3A_67 = vector.broadcast %add3A_66 : f32 to vector<2000x128xf32>
    %add3A_68 = arith.addf %mul3A_65, %add3A_67 : vector<2000x128xf32>
    %mul3A_69 = arith.mulf %mul3A, %add3A_68 : vector<2000x128xf32>
    %reduce_sum3A = arith.constant dense<0.000000e+00> : vector<2000xf32>
    %reduce_sum3A_70 = vector.multi_reduction <add>, %mul3A_69, %reduce_sum3A [1] : vector<2000x128xf32> to vector<2000xf32>
    %broadcast_in_dim3A = vector.shape_cast %reduce_sum3A_70 : vector<2000xf32> to vector<2000x1xf32>
    %swap3A = arith.constant 0 : index
    %swap3A_71 = arith.constant 0 : index
    %swap3A_72 = vector.load %arg5[%swap3A, %swap3A_71] : memref<2000x1xf32, #tpu.memory_space<vmem>>, vector<2000x1xf32>
    tpu.vector_store %arg5[%swap3A, %swap3A_71], %broadcast_in_dim3A {strides = array<i32>} : memref<2000x1xf32, #tpu.memory_space<vmem>>, vector<2000x1xf32>,
    %mul3A_73 = arith.mulf %mul3A, %mul3A_46 : vector<2000x128xf32>
    %reduce_sum3A_74 = arith.constant dense<0.000000e+00> : vector<2000xf32>
    %reduce_sum3A_75 = vector.multi_reduction <add>, %mul3A_73, %reduce_sum3A_74 [1] : vector<2000x128xf32> to vector<2000xf32>
    %broadcast_in_dim3A_76 = vector.shape_cast %reduce_sum3A_75 : vector<2000xf32> to vector<2000x1xf32>
    %swap3A_77 = arith.constant 0 : index
    %swap3A_78 = arith.constant 0 : index
    %swap3A_79 = vector.load %arg6[%swap3A_77, %swap3A_78] : memref<2000x1xf32, #tpu.memory_space<vmem>>, vector<2000x1xf32>
    tpu.vector_store %arg6[%swap3A_77, %swap3A_78], %broadcast_in_dim3A_76 {strides = array<i32>} : memref<2000x1xf32, #tpu.memory_space<vmem>>, vector<2000x1xf32>,
    %reduce_sum3A_80 = arith.constant dense<0.000000e+00> : vector<2000xf32>
    %reduce_sum3A_81 = vector.multi_reduction <add>, %mul3A, %reduce_sum3A_80 [1] : vector<2000x128xf32> to vector<2000xf32>
    %broadcast_in_dim3A_82 = vector.shape_cast %reduce_sum3A_81 : vector<2000xf32> to vector<2000x1xf32>
    %swap3A_83 = arith.constant 0 : index
    %swap3A_84 = arith.constant 0 : index
    %swap3A_85 = vector.load %arg7[%swap3A_83, %swap3A_84] : memref<2000x1xf32, #tpu.memory_space<vmem>>, vector<2000x1xf32>
    tpu.vector_store %arg7[%swap3A_83, %swap3A_84], %broadcast_in_dim3A_82 {strides = array<i32>} : memref<2000x1xf32, #tpu.memory_space<vmem>>, vector<2000x1xf32>,
    return
  }
  func.func @transform_0(%arg0: i32) -> (i32, i32) {
    %c0_i32 = arith.constant 0 : i32
    %c0_i32_0 = arith.constant 0 : i32
    return %arg0, %c0_i32 : i32, i32
  }
  func.func @transform_1(%arg0: i32) -> (i32, i32) {
    %c0_i32 = arith.constant 0 : i32
    %c0_i32_0 = arith.constant 0 : i32
    return %arg0, %c0_i32 : i32, i32
  }
  func.func @transform_2(%arg0: i32) -> (i32, i32) {
    %c0_i32 = arith.constant 0 : i32
    %c0_i32_0 = arith.constant 0 : i32
    return %arg0, %c0_i32 : i32, i32
  }
  func.func @transform_3(%arg0: i32) -> (i32, i32) {
    %c0_i32 = arith.constant 0 : i32
    %c0_i32_0 = arith.constant 0 : i32
    return %arg0, %c0_i32 : i32, i32
  }
  func.func @transform_4(%arg0: i32) -> (i32, i32) {
    %c0_i32 = arith.constant 0 : i32
    %c0_i32_0 = arith.constant 0 : i32
    return %arg0, %c0_i32 : i32, i32
  }
  func.func @transform_5(%arg0: i32) -> (i32, i32) {
    %c0_i32 = arith.constant 0 : i32
    %c0_i32_0 = arith.constant 0 : i32
    return %arg0, %c0_i32 : i32, i32
  }
  func.func @transform_6(%arg0: i32) -> (i32, i32) {
    %c0_i32 = arith.constant 0 : i32
    %c0_i32_0 = arith.constant 0 : i32
    return %arg0, %c0_i32 : i32, i32
  }
}

</mosaic_0001>

<sc_bundles>
// kernel: kernel.5.cloned.1.call-start
scs
__scs_entry_jumppad:
0x0: {  	(pc) =	sbr.rel $0x88, $3  }
0x1: {  	(tag) =	ssettag $0x0;
	lr =	simm.s32 $0x1  }
0x2: {  	[smem:$0x3F9D] =	sst lr;
	_ =	strace $0xD0000000  }
0x3: {  	_ = 	snop  }
0x4: {  	_ = 	snop  }
0x5: {  	_ = 	snop  }
0x6: {  	_ = 	snop  }
0x7: {  	_ = 	snop  }
__scs_overlays_trampoline_lowered:
0x8: {  	[smem:$0x3FAC] =	sst s0  }
0x9: {  	[smem:$0x3FAD] =	sst s1  }
0xa: {  	[smem:$0x3FAE] =	sst s2  }
0xb: {  	[smem:$0x3FAF] =	sst s3  }
0xc: {  	[smem:$0x3FB0] =	sst s4  }
0xd: {  	[smem:$0x3FB1] =	sst s5  }
0xe: {  	[smem:$0x3FB2] =	sst s6  }
0xf: {  	[smem:$0x3FB3] =	sst s7  }
0x10: {  	[smem:$0x3FB4] =	sst s8  }
0x11: {  	[smem:$0x3FB5] =	sst s9;
	s0 =	simm.s32 @!p0 $0x0  }
0x12: {  	s1 =	sld [smem:$0x3F9B];
	s0 =	simm.s32 @p0 $0x1  }
0x13: {  	[smem:$0x3FB6] =	sst s0;
	s0 =	simm.s32 @!p1 $0x0  }
0x14: {  	s2 =	sld [smem:$0x3F9A];
	s0 =	simm.s32 @p1 $0x1  }
0x15: {  	[smem:$0x3FB7] =	sst s0;
	s0 =	simm.s32 @!p2 $0x0  }
0x16: {  	s3 =	sld [smem:$0x3FDB];
	s0 =	simm.s32 @p2 $0x1  }
0x17: {  	s4 =	simm.s32 $0x1BF5;
	[smem:$0x3FB9] =	sst s0  }
0x18: {  	s0 =	sld [smem:$0x3F9C];
	_ =	swait.ge [sflag:s4], $0x0  }
0x19: {  	s7 =	sld [smem:$0x3F9D]  }
0x1a: {  	s8 =	sadd.s32 $0xFFFFE003, lr  }
0x1b: {  	s9 =	sadd.s32 $0xFFFFFEF7, lr;
	s5 =	simm.s32 $0xFFFFFFFF;
	p2 =	slt.u32 s8, $0xFFFFF086  }
0x1c: {  	p1 =	slt.u32 s9, $0xF7A;
	s5 =	simm.s32 @!p2 $0x0  }
0x1d: {  	s5 =	simm.s32 @p1 $0x1;
	p0 =	seq.s32 s7, s2  }
0x1e: {  	s7 =	smul.u32 @!p0 $0xF7A, s2;
	p2 =	seq.s32 @!p0 s5, $0x0  }
0x1f: {  	s9 =	smul.u32 $0xF7A, s1;
	s8 =	simm.s32 @!p0 $0x1BF5;
	p2 =	por !p2, p0  }
0x20: {  	[sflag:s8] =	ssyncset.s32 @!p0 $0xFFFFF086;
	s6 =	sadd.s32 @!p0 s3, s7;
	s7 =	simm.s32 @!p0 $0x108  }
0x21: {  	s3 =	sadd.s32 s3, s9;
	s6 =	sadd.s32 @!p0 $0x88, s6;
	s7 =	simm.s32 @p2 $0x1082  }
0x22: {  	[simem:s7], [sflag:s8] =	dma.local @!p0 [hbm:s6], $0xF7A  }
0x23: {  	s9 =	sor.u32 $0xD0000000, s2;
	s6 =	simm.s32 $0x108;
	_ =	swait.ge @!p0 [sflag:s8], $0x0  }
0x24: {  	s3 =	sadd.s32 $0x88, s3;
	s6 =	simm.s32 @!p1 $0x1082;
	[sflag:s4] =	ssyncset.s32 $0xFFFFF086  }
0x25: {  	[simem:s6], [sflag:s4] =	dma.local [hbm:s3], $0xF7A  }
0x26: {  	[smem:$0x3F9D] =	sst s1;
	(tag) =	ssettag s2;
	_ =	strace s9  }
0x27: {  	s1 =	sld [smem:$0x3FAD]  }
0x28: {  	s2 =	sld [smem:$0x3FAE]  }
0x29: {  	s4 =	sld [smem:$0x3FB0]  }
0x2a: {  	p0 =	seq.s32 s5, $0x0;
	s5 =	sld [smem:$0x3FB1]  }
0x2b: {  	s6 =	sld [smem:$0x3FB2]  }
0x2c: {  	s7 =	sld [smem:$0x3FB3]  }
0x2d: {  	s3 =	simm.s32 $0x108;
	s8 =	sld [smem:$0x3FB4]  }
0x2e: {  	s3 =	simm.s32 @!p0 $0x1082;
	s9 =	sld [smem:$0x3FB5]  }
0x2f: {  	lr =	sadd.s32 s0, s3;
	s0 =	sld [smem:$0x3FAC]  }
0x30: {  	s3 =	sld [smem:$0x3FAF]  }
0x31: {  	[smem:$0x3FB8] =	sst s10  }
0x32: {  	s10 =	sld [smem:$0x3FB6];
	_ =	sdelay $0x3  }
0x33: {  	p0 =	seq.s32 s10, $0x1;
	s10 =	sld [smem:$0x3FB8];
	_ =	sdelay $0x3  }
0x34: {  	[smem:$0x3FB8] =	sst s10  }
0x35: {  	s10 =	sld [smem:$0x3FB7];
	_ =	sdelay $0x3  }
0x36: {  	p1 =	seq.s32 s10, $0x1;
	s10 =	sld [smem:$0x3FB8];
	_ =	sdelay $0x3  }
0x37: {  	[smem:$0x3FB8] =	sst s10  }
0x38: {  	s10 =	sld [smem:$0x3FB9]  }
0x39: {  	_ = 	snop;
	(pc) =	sbr.ind lr, $3  }
0x3a: {  	_ = 	snop  }
0x3b: {  	_ = 	snop  }
0x3c: {  	p2 =	seq.s32 s10, $0x1;
	s10 =	sld [smem:$0x3FB8]  }
0x3d: {  	_ =	shalt  }
0x3e: {  	_ =	shalt  }
0x3f: {  	_ =	shalt  }
0x40: {  	_ =	shalt  }
0x41: {  	_ =	shalt  }
0x42: {  	_ =	shalt  }
0x43: {  	_ =	shalt  }
0x44: {  	_ =	shalt  }
0x45: {  	_ =	shalt  }
0x46: {  	_ =	shalt  }
0x47: {  	_ =	shalt  }
0x48: {  	_ =	shalt  }
0x49: {  	_ =	shalt  }
0x4a: {  	_ =	shalt  }
0x4b: {  	_ =	shalt  }
0x4c: {  	_ =	shalt  }
0x4d: {  	_ =	shalt  }
0x4e: {  	_ =	shalt  }
0x4f: {  	_ =	shalt  }
0x50: {  	_ =	shalt  }
0x51: {  	_ =	shalt  }
0x52: {  	_ =	shalt  }
0x53: {  	_ =	shalt  }
0x54: {  	_ =	shalt  }
0x55: {  	_ =	shalt  }
0x56: {  	_ =	shalt  }
0x57: {  	_ =	shalt  }
0x58: {  	_ =	shalt  }
0x59: {  	_ =	shalt  }
0x5a: {  	_ =	shalt  }
0x5b: {  	_ =	shalt  }
0x5c: {  	_ =	shalt  }
0x5d: {  	_ =	shalt  }
0x5e: {  	_ =	shalt  }
0x5f: {  	_ =	shalt  }
0x60: {  	_ =	shalt  }
0x61: {  	_ =	shalt  }
0x62: {  	_ =	shalt  }
0x63: {  	_ =	shalt  }
0x64: {  	_ =	shalt  }
0x65: {  	_ =	shalt  }
0x66: {  	_ =	shalt  }
0x67: {  	_ =	shalt  }
0x68: {  	_ =	shalt  }
0x69: {  	_ =	shalt  }
0x6a: {  	_ =	shalt  }
0x6b: {  	_ =	shalt  }
0x6c: {  	_ =	shalt  }
0x6d: {  	_ =	shalt  }
0x6e: {  	_ =	shalt  }
0x6f: {  	_ =	shalt  }
0x70: {  	_ =	shalt  }
0x71: {  	_ =	shalt  }
0x72: {  	_ =	shalt  }
0x73: {  	_ =	shalt  }
0x74: {  	_ =	shalt  }
0x75: {  	_ =	shalt  }
0x76: {  	_ =	shalt  }
0x77: {  	_ =	shalt  }
0x78: {  	_ =	shalt  }
0x79: {  	_ =	shalt  }
0x7a: {  	_ =	shalt  }
0x7b: {  	_ =	shalt  }
0x7c: {  	_ =	shalt  }
0x7d: {  	_ =	shalt  }
0x7e: {  	_ =	shalt  }
0x7f: {  	_ =	shalt  }
0x80: {  	_ =	shalt  }
0x81: {  	_ =	shalt  }
0x82: {  	_ =	shalt  }
0x83: {  	_ =	shalt  }
0x84: {  	_ =	shalt  }
0x85: {  	_ =	shalt  }
0x86: {  	_ =	shalt  }
0x87: {  	_ =	shalt  }
.Lfunc_end0:
.L_simem_size_0:
called_computation_lowered:
.L_overlay_start_0:
0x88: {  	s2 =	sld [smem:$0x3FD9]  }
0x89: {  	s3 =	sld [smem:$0x3FFE];
	_ =	sdelay $0x1  }
0x8a: {  	s1 =	srdreg.scid  }
0x8b: {  	s0 =	sand.u32 $0x1, s1  }
0x8c: {  	s17 =	sshll.u32 s0, $0xA;
	s2 =	sadd.s32 s3, s2  }
0x8d: {  	s2 =	sadd.s32 s2, s17  }
0x8e: {  	[smem:$0x3FC4] =	sst s2  }
0x8f: {  	_ = 	snop  }
0x90: {  	s2 =	sld [smem:$0x3FC8]  }
0x91: {  	s18 =	sld [smem:$0x3FC7];
	(tm) =	ssettm $0x1  }
0x92: {  	s4 =	sld [smem:$0x3FFB];
	_ =	sdelay $0x3  }
0x93: {  	_ =	strace s4  }
0x94: {  	s4 =	sld [smem:$0x3FFC];
	_ =	sdelay $0x3  }
0x95: {  	_ =	strace s4  }
0x96: {  	s4 =	sld [smem:$0x3FFD];
	_ =	sdelay $0x3  }
0x97: {  	_ =	strace s4  }
0x98: {  	_ =	strace $0x8FFFFFFF  }
0x99: {  	s19 =	sld [smem:$0x3FDB];
	_ =	sdelay $0x1  }
0x9a: {  	s5 =	simm.s32 $_scs_section_size  }
0x9b: {  	s6 =	simm.s32 $_size__tile_overlayer_lowered;
	s7 =	simm.s32 $_tile_overlayer_lowered  }
0x9c: {  	s22 =	simm.s32 $0x1BFF;
	s21 =	sshll.u32 s7, $0x1;
	s4 =	sadd.s32 s5, s19  }
0x9d: {  	s8 =	simm.s32 $0x0;
	s20 =	sshll.u32 s6, $0x1;
	s6 =	sadd.s32 s21, s4  }
0x9e: {  	[timem:s8], [sflag:s22] =	dma.local [hbm:s6], s20  }
0x9f: {  	_ =	swait.ge [sflag:s22], s20  }
0xa0: {  	s5 =	ssub.s32 $0x0, s20;
	[sflag:s22] =	ssyncset.done $0x0  }
0xa1: {  	[sflag:s22] =	ssyncadd.s32 s5;
	_ =	sdelay $0x1  }
0xa2: {  	s23 =	simm.s32 $0x1B8B  }
0xa3: {  	_ =	swait.ge [sflag:s23], $0x1  }
0xa4: {  	[sflag:s23] =	ssyncset.done $0x0  }
0xa5: {  	s25 =	simm.s32 $0x1B8E;
	s24 =	sld [smem:$0x3FFE];
	[sflag:s23] =	ssyncadd.s32 $0xFFFFFFFF  }
0xa6: {  	s26 =	simm.s32 $execute0_lowered;
	[smem:$0x3FD2] =	sst s25  }
0xa7: {  	s6 =	sshll.u32 s26, $0x1;
	_ =	strace $0x80000046;
	[dreg:$0x1] =	wrdreg $0xFFFFFFFF  }
0xa8: {  	s28 =	simm.s32 $_size_execute0_lowered;
	s4 =	sadd.s32 s4, s6;
	[dreg:$0x0] =	wrdreg $0x0  }
0xa9: {  	s6 =	sshll.u32 s28, $0x1;
	[dreg:$0x2] =	wrdreg s4  }
0xaa: {  	[dreg:$0x3] =	wrdreg s6  }
0xab: {  	[dreg:$0x4] =	wrdreg $0xC0  }
0xac: {  	_ =	task [dreg:s8], $0x5FFFF  }
0xad: {  	[dreg:$0x1] =	wrdreg $0xFFFFFFFF  }
0xae: {  	[dreg:$0x0] =	wrdreg $0x60  }
0xaf: {  	[dreg:$0x2] =	wrdreg s24  }
0xb0: {  	[dreg:$0x3] =	wrdreg s2  }
0xb1: {  	[dreg:$0x4] =	wrdreg s18  }
0xb2: {  	[dreg:$0x5] =	wrdreg $0x9  }
0xb3: {  	_ =	task.clear_ibuf [dreg:s8], $0x6FFFF;
	_ =	strace $0x90000046  }
0xb4: {  	s29 =	simm.s32 $0x9;
	_ =	strace $0x80000048  }
0xb5: {  	_ =	swait.ge [sflag:s29], $0x1  }
0xb6: {  	[sflag:s29] =	ssyncadd.s32 $0xFFFFFFFF  }
0xb7: {  	_ =	strace $0x90000048  }
0xb8: {  	_ =	sfence  }
0xb9: {  	s30 =	sld [smem:$0x0];
	_ =	sdelay $0x2  }
0xba: {  	s31 =	sshll.u32 s1, $0xD;
	s1 =	sshrl.u32 s1, $0x2  }
0xbb: {  	s3 =	sand.u32 $0x4000, s31;
	s1 =	sadd.s32 s1, s30  }
0xbc: {  	s0 =	sor.u32 s3, s0;
	s1 =	sshll.u32 s1, $0x11  }
0xbd: {  	s0 =	sor.u32 s1, s0  }
0xbe: {  	s0 =	sadd.s32 $0x8F2B, s0  }
0xbf: {  	[sflag:s0] =	ssyncadd.remote.s32 $0x1  }
0xc0: {  	_ =	sfence.sel $0xFFFF  }
0xc1: {  	[dreg:$0x0] =	wrdreg $0xFFFFFFFF;
	(pc) =	sbr.abs _section_cstart, $3  }
0xc2: {  	[dreg:$0x1] =	wrdreg $0xFFFFFFFF  }
0xc3: {  	_ =	task.clear_ibuf [dreg:s8], $0x2FFFF;
	_ =	strace $0x9FFFFFFF  }
0xc4: {  	(tm) =	ssettm $0x7FFFFFFF  }
0xc5: {  	_ =	shalt  }
tec
execute0_lowered:
.L_overlay_start_1:
0x0: {  	(tag) =	ssettag $0x1  }
0x1: {  	s0 =	rddreg [dreg:$0x0]  }
0x2: {  	s2 =	rddreg [dreg:$0x1]  }
0x3: {  	s3 =	rddreg [dreg:$0x2]  }
0x4: {  	s1 =	srdreg.scid;
	s13 =	stileid.u32;
	s4 =	simm.s32 $0x0  }
0x5: {  	s30 =	simm.s32 $0x2;
	s31 =	simm.s32 $0x3;
	s28 =	simm.s32 $0x9F00  }
0x6: {  	s1 =	sand.u32 $0x1, s1;
	s5 =	sshll.u32 s13, $0x1;
	s8 =	sadd.s32 $0x4FFA00, s0  }
0x7: {  	[smem:$0x7FF] =	sst s4;
	s9 =	sadd.s32 $0x9E1A00, s0;
	s19 =	smul.u32 $0x4E200, s13  }
0x8: {  	s5 =	sor.u32 s1, s5;
	s11 =	ssub.s32 $0x2, s1;
	s1 =	smul.u32 $0x27100, s1  }
0x9: {  	s6 =	sadd.s32 $0x1DA00, s0;
	s10 =	sadd.s32 $0xEC3A00, s0;
	s7 =	smul.u32 $0x2710, s5  }
0xa: {  	_ =	strace $0x80000047;
	s5 =	smul.u32 $0x138800, s5;
	s12 =	sshrl.u32 s11, $0x1  }
0xb: {  	s23 =	sadd.s32 s19, s6;
	s24 =	sadd.s32 s19, s8;
	s25 =	sadd.s32 s19, s9  }
0xc: {  	s29 =	sadd.s32 s19, s10;
	s19 =	simm.s32 $0x7700;
	s11 =	ssub.s32 s11, s12  }
0xd: {  	s26 =	sadd.s32 s1, s25;
	s25 =	simm.s32 $0x4F00;
	s12 =	simm.s32 $0x10  }
0xe: {  	s7 =	sshrl.u32 s7, $0x3;
	s5 =	sshrl.u32 s5, $0x3;
	s22 =	smax.u32 s11, $0x1  }
0xf: {  	[dreg:$0xd] =	wrdreg s26;
	s11 =	simm.s32 $0xC;
	s26 =	simm.s32 $0x7700  }
0x10: {  	s7 =	sadd.s32 s0, s7;
	s16 =	sadd.s32 $0x26C00, s5;
	[dreg:$0xa] =	wrdreg s22  }
0x11: {  	s5 =	simm.s32 $0xA;
	[dreg:$0x4] =	wrdreg s7;
	s17 =	sadd.s32 $0x9E00, s7  }
0x12: {  	s18 =	sadd.s32 s6, s16;
	s20 =	sadd.s32 s8, s16;
	[dreg:$0x5] =	wrdreg s17  }
0x13: {  	s21 =	sadd.s32 s9, s16;
	s0 =	sadd.s32 s10, s16;
	[dreg:$0x6] =	wrdreg s18  }
0x14: {  	s8 =	simm.s32 $0x8;
	s9 =	simm.s32 $0x9;
	[dreg:$0x7] =	wrdreg s20  }
0x15: {  	s10 =	simm.s32 $0xB;
	s16 =	simm.s32 $0xF;
	[dreg:$0x8] =	wrdreg s21  }
.Ltmp0:
0x16: {  	[dreg:$0x9] =	wrdreg s0;
	s0 =	sadd.s32 s1, s23;
	(pc) =	sbr.rel .LBB2_1-.Ltmp0, $4  }
0x17: {  	s18 =	simm.s32 $0x50;
	s20 =	simm.s32 $0xEF00;
	s23 =	simm.s32 $0x11700  }
0x18: {  	s17 =	simm.s32 $0xE;
	[dreg:$0xb] =	wrdreg s0;
	s0 =	sadd.s32 s1, s24  }
0x19: {  	s24 =	simm.s32 $0xD;
	[dreg:$0xc] =	wrdreg s0;
	s0 =	sadd.s32 s1, s29  }
0x1a: {  	s1 =	simm.s32 $0x0;
	[dreg:$0xe] =	wrdreg s0;
	s0 =	simm.s32 $0x4  }
.LBB2_4:
0x1b: {  	s1 =	simm.s32 $0x1  }
0x1c: {  	_ =	swait.ge [sflag:s1], $0x2800  }
0x1d: {  	[sflag:s1] =	ssyncset.done $0x0  }
0x1e: {  	[sflag:s1] =	ssyncadd.s32 $0xFFFFD800  }
0x1f: {  	_ =	swait.ge [sflag:s30], $0x2800  }
0x20: {  	[sflag:s30] =	ssyncset.done $0x0  }
0x21: {  	[sflag:s30] =	ssyncadd.s32 $0xFFFFD800  }
0x22: {  	_ =	swait.ge [sflag:s31], $0x2800  }
0x23: {  	[sflag:s31] =	ssyncset.done $0x0  }
0x24: {  	[sflag:s31] =	ssyncadd.s32 $0xFFFFD800  }
0x25: {  	_ =	swait.ge [sflag:s0], $0x2800  }
0x26: {  	[sflag:s0] =	ssyncset.done $0x0  }
0x27: {  	s13 =	rddreg [dreg:$0x6];
	[sflag:s0] =	ssyncadd.s32 $0xFFFFD800  }
0x28: {  	[hbm4b:s13+s4] =	stream.linear.scatter [tilespmem:s25], [sflag:$0x9], $0x2800, $0x38;
	[tilespmem:$0x18F00] =	vst v63  }
0x29: {  	s19 =	simm.s32 $0x7700;
	s6 =	rddreg [dreg:$0x7]  }
0x2a: {  	[hbm4b:s6+s4] =	stream.linear.scatter [tilespmem:s19], [sflag:$0xA], $0x2800, $0x38;
	[tilespmem:$0x18F00] =	vst v63  }
0x2b: {  	s14 =	simm.s32 $0x9F00;
	s7 =	rddreg [dreg:$0x8]  }
0x2c: {  	[hbm4b:s7+s4] =	stream.linear.scatter [tilespmem:s14], [sflag:$0xB], $0x2800, $0x38;
	[tilespmem:$0x18F00] =	vst v63  }
0x2d: {  	s21 =	simm.s32 $0xC700;
	s15 =	rddreg [dreg:$0x9]  }
0x2e: {  	[hbm4b:s15+s4] =	stream.linear.scatter [tilespmem:s21], [sflag:$0xC], $0x2800, $0x38;
	[tilespmem:$0x18F00] =	vst v63  }
0x2f: {  	_ =	swait.ge [sflag:s9], $0x2800  }
0x30: {  	[sflag:s9] =	ssyncset.done $0x0  }
0x31: {  	[sflag:s9] =	ssyncadd.s32 $0xFFFFD800  }
0x32: {  	_ =	swait.ge [sflag:s5], $0x2800  }
0x33: {  	[sflag:s5] =	ssyncset.done $0x0  }
0x34: {  	[sflag:s5] =	ssyncadd.s32 $0xFFFFD800  }
0x35: {  	_ =	swait.ge [sflag:s10], $0x2800  }
0x36: {  	[sflag:s10] =	ssyncset.done $0x0  }
0x37: {  	[sflag:s10] =	ssyncadd.s32 $0xFFFFD800  }
0x38: {  	_ =	swait.ge [sflag:s11], $0x2800  }
0x39: {  	s22 =	rddreg [dreg:$0xf]  }
0x3a: {  	s29 =	rddreg [dreg:$0xa];
	s1 =	sadd.s32 $0x1, s22  }
0x3b: {  	p0 =	sne.s32 s1, s29  }
.Ltmp1:
0x3c: {  	_ = 	snop;
	(pc) =	sbr.rel @!p0 .LBB2_5-.Ltmp1, $3  }
0x3d: {  	_ =	sdelay $0x1  }
0x3e: {  	[sflag:s11] =	ssyncset.done $0x0  }
0x3f: {  	[sflag:s11] =	ssyncadd.s32 $0xFFFFD800  }
.LBB2_1:
0x40: {  	[dreg:$0xf] =	wrdreg s1  }
0x41: {  	s13 =	rddreg [dreg:$0x5];
	s14 =	simm.s32 $0x11  }
0x42: {  	[tilespmem:s4], [sflag:$0x11] =	stream.linear.gather [hbm4b:s13+s4], $0x2710, $0x38;
	[tilespmem:$0x18F00] =	vst v63  }
0x43: {  	_ =	swait.ge [sflag:s14], $0x2710  }
0x44: {  	[sflag:s14] =	ssyncset.done $0x0  }
0x45: {  	s15 =	simm.s32 $0x2780;
	s7 =	rddreg [dreg:$0x4];
	[sflag:s14] =	ssyncadd.s32 $0xFFFFD8F0  }
0x46: {  	[tilespmem:s15], [sflag:$0x11] =	stream.linear.gather [hbm4b:s7+s4], $0x2710, $0x38;
	[tilespmem:$0x18F00] =	vst v63  }
0x47: {  	_ =	swait.ge [sflag:s14], $0x2710  }
0x48: {  	[sflag:s14] =	ssyncset.done $0x0  }
0x49: {  	[sflag:s14] =	ssyncadd.s32 $0xFFFFD8F0  }
0x4a: {  	[tilespmem:s25], [sflag:$0x1] =	stream.indirect.gather [hbm4b:s3+s18], $0x80, s4, s18, $0xb8;
	[tilespmem:$0x18F00] =	vst v63  }
0x4b: {  	_ = 	snop  }
0x4c: {  	[tilespmem:s19], [sflag:$0x2] =	stream.indirect.gather [hbm4b:s3+s18], $0x80, s15, s18, $0xb8;
	[tilespmem:$0x18F00] =	vst v63  }
0x4d: {  	s21 =	simm.s32 $0x9F00  }
0x4e: {  	[tilespmem:s21], [sflag:$0x3] =	stream.indirect.gather [hbm4b:s2+s18], $0x80, s4, s18, $0xb8;
	[tilespmem:$0x18F00] =	vst v63  }
0x4f: {  	s22 =	simm.s32 $0xC700  }
0x50: {  	[tilespmem:s22], [sflag:$0x4] =	stream.indirect.gather [hbm4b:s2+s18], $0x80, s15, s18, $0xb8;
	[tilespmem:$0x18F00] =	vst v63  }
0x51: {  	_ = 	snop  }
0x52: {  	[tilespmem:s20], [sflag:$0x5] =	stream.indirect.gather [hbm4b:s3+s18], $0x80, s18, s18, $0xb8;
	[tilespmem:$0x18F00] =	vst v63  }
0x53: {  	s22 =	simm.s32 $0x27D0  }
0x54: {  	[tilespmem:s23], [sflag:$0x6] =	stream.indirect.gather [hbm4b:s3+s18], $0x80, s22, s18, $0xb8;
	[tilespmem:$0x18F00] =	vst v63  }
0x55: {  	s6 =	simm.s32 $0x13F00  }
0x56: {  	[tilespmem:s6], [sflag:$0x7] =	stream.indirect.gather [hbm4b:s2+s18], $0x80, s18, s18, $0xb8;
	[tilespmem:$0x18F00] =	vst v63  }
0x57: {  	s29 =	simm.s32 $0x16700;
	s13 =	simm.s32 $0xF0;
	s14 =	simm.s32 $0x2870  }
0x58: {  	[tilespmem:s29], [sflag:$0x8] =	stream.indirect.gather [hbm4b:s2+s18], $0x80, s22, s18, $0xb8;
	[tilespmem:$0x18F00] =	vst v63  }
0x59: {  	s21 =	simm.s32 $0xEF00;
	s15 =	simm.s32 $0x0;
	s22 =	simm.s32 $0x11700  }
.LBB2_2:
0x5a: {  	s1 =	simm.s32 $0x1  }
0x5b: {  	_ =	swait.ge [sflag:s1], $0x2800  }
0x5c: {  	[sflag:s1] =	ssyncset.done $0x0  }
0x5d: {  	[sflag:s1] =	ssyncadd.s32 $0xFFFFD800  }
0x5e: {  	_ =	swait.ge [sflag:s30], $0x2800  }
0x5f: {  	[sflag:s30] =	ssyncset.done $0x0  }
0x60: {  	[sflag:s30] =	ssyncadd.s32 $0xFFFFD800  }
0x61: {  	_ =	swait.ge [sflag:s31], $0x2800  }
0x62: {  	[sflag:s31] =	ssyncset.done $0x0  }
0x63: {  	[sflag:s31] =	ssyncadd.s32 $0xFFFFD800  }
0x64: {  	_ =	swait.ge [sflag:s0], $0x2800  }
0x65: {  	[sflag:s0] =	ssyncset.done $0x0;
	s19 =	rddreg [dreg:$0xb]  }
0x66: {  	s1 =	rddreg [dreg:$0xc];
	[sflag:s0] =	ssyncadd.s32 $0xFFFFD800;
	s23 =	sadd.s32 s15, s19  }
0x67: {  	[hbm4b:s23+s4] =	stream.linear.scatter [tilespmem:s25], [sflag:$0x9], $0x2800, $0x38;
	[tilespmem:$0x18F00] =	vst v63  }
0x68: {  	s20 =	rddreg [dreg:$0xd];
	s19 =	sadd.s32 s15, s1  }
0x69: {  	[hbm4b:s19+s4] =	stream.linear.scatter [tilespmem:s26], [sflag:$0xA], $0x2800, $0x38;
	[tilespmem:$0x18F00] =	vst v63  }
0x6a: {  	s7 =	rddreg [dreg:$0xe];
	s25 =	sadd.s32 s15, s20  }
0x6b: {  	[hbm4b:s25+s4] =	stream.linear.scatter [tilespmem:s28], [sflag:$0xB], $0x2800, $0x38;
	[tilespmem:$0x18F00] =	vst v63  }
0x6c: {  	s1 =	simm.s32 $0xC700;
	s20 =	sadd.s32 s15, s7;
	s7 =	simm.s32 $0x5  }
0x6d: {  	[hbm4b:s20+s4] =	stream.linear.scatter [tilespmem:s1], [sflag:$0xC], $0x2800, $0x38;
	[tilespmem:$0x18F00] =	vst v63  }
0x6e: {  	_ =	swait.ge [sflag:s7], $0x2800  }
0x6f: {  	[sflag:s7] =	ssyncset.done $0x0  }
0x70: {  	[sflag:s7] =	ssyncadd.s32 $0xFFFFD800;
	s7 =	simm.s32 $0x6  }
0x71: {  	_ =	swait.ge [sflag:s7], $0x2800  }
0x72: {  	[sflag:s7] =	ssyncset.done $0x0  }
0x73: {  	[sflag:s7] =	ssyncadd.s32 $0xFFFFD800;
	s7 =	simm.s32 $0x7  }
0x74: {  	_ =	swait.ge [sflag:s7], $0x2800  }
0x75: {  	[sflag:s7] =	ssyncset.done $0x0  }
0x76: {  	[sflag:s7] =	ssyncadd.s32 $0xFFFFD800  }
0x77: {  	_ =	swait.ge [sflag:s8], $0x2800  }
0x78: {  	[sflag:s8] =	ssyncset.done $0x0  }
0x79: {  	s23 =	sadd.s32 $0x500, s23;
	[sflag:s8] =	ssyncadd.s32 $0xFFFFD800  }
0x7a: {  	[hbm4b:s23+s4] =	stream.linear.scatter [tilespmem:s21], [sflag:$0xD], $0x2800, $0x38;
	[tilespmem:$0x18F00] =	vst v63  }
0x7b: {  	s19 =	sadd.s32 $0x500, s19  }
0x7c: {  	[hbm4b:s19+s4] =	stream.linear.scatter [tilespmem:s22], [sflag:$0xE], $0x2800, $0x38;
	[tilespmem:$0x18F00] =	vst v63  }
0x7d: {  	s21 =	sadd.s32 $0x500, s25  }
0x7e: {  	[hbm4b:s21+s4] =	stream.linear.scatter [tilespmem:s6], [sflag:$0xF], $0x2800, $0x38;
	[tilespmem:$0x18F00] =	vst v63  }
0x7f: {  	s22 =	sadd.s32 $0x500, s20  }
0x80: {  	[hbm4b:s22+s4] =	stream.linear.scatter [tilespmem:s29], [sflag:$0x10], $0x2800, $0x38;
	[tilespmem:$0x18F00] =	vst v63  }
0x81: {  	_ =	swait.ge [sflag:s9], $0x2800  }
0x82: {  	[sflag:s9] =	ssyncset.done $0x0  }
0x83: {  	[sflag:s9] =	ssyncadd.s32 $0xFFFFD800  }
0x84: {  	_ =	swait.ge [sflag:s5], $0x2800  }
0x85: {  	[sflag:s5] =	ssyncset.done $0x0  }
0x86: {  	[sflag:s5] =	ssyncadd.s32 $0xFFFFD800  }
0x87: {  	_ =	swait.ge [sflag:s10], $0x2800  }
0x88: {  	[sflag:s10] =	ssyncset.done $0x0  }
0x89: {  	[sflag:s10] =	ssyncadd.s32 $0xFFFFD800  }
0x8a: {  	_ =	swait.ge [sflag:s11], $0x2800  }
0x8b: {  	[sflag:s11] =	ssyncset.done $0x0  }
0x8c: {  	s25 =	simm.s32 $0x4F00;
	s23 =	sadd.s32 $0xFFFFFFB0, s13;
	[sflag:s11] =	ssyncadd.s32 $0xFFFFD800  }
0x8d: {  	[tilespmem:s25], [sflag:$0x1] =	stream.indirect.gather [hbm4b:s3+s18], $0x80, s23, s18, $0xb8;
	[tilespmem:$0x18F00] =	vst v63  }
0x8e: {  	s29 =	sadd.s32 $0xFFFFFFB0, s14  }
0x8f: {  	[tilespmem:s26], [sflag:$0x2] =	stream.indirect.gather [hbm4b:s3+s18], $0x80, s29, s18, $0xb8;
	[tilespmem:$0x18F00] =	vst v63  }
0x90: {  	_ = 	snop  }
0x91: {  	[tilespmem:s28], [sflag:$0x3] =	stream.indirect.gather [hbm4b:s2+s18], $0x80, s23, s18, $0xb8;
	[tilespmem:$0x18F00] =	vst v63  }
0x92: {  	_ = 	snop  }
0x93: {  	[tilespmem:s1], [sflag:$0x4] =	stream.indirect.gather [hbm4b:s2+s18], $0x80, s29, s18, $0xb8;
	[tilespmem:$0x18F00] =	vst v63  }
0x94: {  	_ =	swait.ge [sflag:s24], $0x2800  }
0x95: {  	[sflag:s24] =	ssyncset.done $0x0  }
0x96: {  	[sflag:s24] =	ssyncadd.s32 $0xFFFFD800  }
0x97: {  	_ =	swait.ge [sflag:s17], $0x2800  }
0x98: {  	[sflag:s17] =	ssyncset.done $0x0  }
0x99: {  	[sflag:s17] =	ssyncadd.s32 $0xFFFFD800  }
0x9a: {  	p0 =	seq.s32 s15, $0x26200;
	_ =	swait.ge [sflag:s16], $0x2800  }
.Ltmp2:
0x9b: {  	[sflag:s16] =	ssyncset.done $0x0;
	(pc) =	sbr.rel @p0 .LBB2_4-.Ltmp2, $4  }
0x9c: {  	[sflag:s16] =	ssyncadd.s32 $0xFFFFD800  }
0x9d: {  	_ =	swait.ge [sflag:s12], $0x2800  }
0x9e: {  	s20 =	simm.s32 $0xEF00;
	s6 =	simm.s32 $0x16700;
	[sflag:s12] =	ssyncset.done $0x0  }
0x9f: {  	s23 =	simm.s32 $0x11700;
	s1 =	simm.s32 $0x13F00;
	[sflag:s12] =	ssyncadd.s32 $0xFFFFD800  }
0xa0: {  	[tilespmem:s20], [sflag:$0x5] =	stream.indirect.gather [hbm4b:s3+s18], $0x80, s13, s18, $0xb8;
	[tilespmem:$0x18F00] =	vst v63  }
0xa1: {  	_ = 	snop  }
0xa2: {  	[tilespmem:s23], [sflag:$0x6] =	stream.indirect.gather [hbm4b:s3+s18], $0x80, s14, s18, $0xb8;
	[tilespmem:$0x18F00] =	vst v63  }
.Ltmp3:
0xa3: {  	s15 =	sadd.s32 $0xA00, s15;
	(pc) =	sbr.rel .LBB2_2-.Ltmp3, $4  }
0xa4: {  	[tilespmem:s1], [sflag:$0x7] =	stream.indirect.gather [hbm4b:s2+s18], $0x80, s13, s18, $0xb8;
	[tilespmem:$0x18F00] =	vst v63  }
0xa5: {  	s29 =	simm.s32 $0x16700;
	s21 =	simm.s32 $0xEF00;
	s22 =	simm.s32 $0x11700  }
0xa6: {  	[tilespmem:s6], [sflag:$0x8] =	stream.indirect.gather [hbm4b:s2+s18], $0x80, s14, s18, $0xb8;
	[tilespmem:$0x18F00] =	vst v63  }
0xa7: {  	s13 =	sadd.s32 $0xA0, s13;
	s14 =	sadd.s32 $0xA0, s14;
	s6 =	simm.s32 $0x13F00  }
.LBB2_5:
0xa8: {  	_ =	sfence.sel $0x180000  }
0xa9: {  	[bflag:$0x0] =	sbarrier.arrive $0xFFFF  }
0xaa: {  	_ =	strace $0x90000047  }
0xab: {  	s0 =	stileid.u32;
	[bflag:$0x2] =	sbarrier.arrive $0xFFFF  }
0xac: {  	p0 =	sne.s32 s0, $0x0;
	s0 =	rddreg [dreg:$0x3]  }
0xad: {  	s0 =	sadd.s32 @!p0 $0x100000, s0  }
0xae: {  	[sflag:s0] =	ssyncadd.tile.s32 @!p0 $0x1;
	_ =	shalt  }
.Lfunc_end2:
_tile_overlayer_lowered:
.L_overlay_start_2:
0xaf: {  	(tag) =	ssettag $0x2  }
0xb0: {  	s0 =	rddreg [dreg:$0x0];
	s2 =	stileid.u32  }
0xb1: {  	s1 =	rddreg [dreg:$0x1];
	p0 =	sne.s32 s2, $0x0  }
0xb2: {  	s3 =	rddreg [dreg:$0x2];
	[bflag:$0x3] =	sbarrier.arrive $0xFFFF;
	s2 =	simm.s32 @!p0 $0x1C11  }
0xb3: {  	[timem:s3], [sflag:s2] =	dma.local @!p0 [hbm:s0], s1  }
0xb4: {  	s0 =	simm.s32 @!p0 $0x11  }
0xb5: {  	_ =	swait.ge @!p0 [sflag:s0], s1  }
0xb6: {  	s1 =	ssub.s32 @!p0 $0x0, s1;
	[sflag:s0] =	ssyncset.done @!p0 $0x0  }
0xb7: {  	[sflag:s0] =	ssyncadd.s32 @!p0 s1  }
0xb8: {  	[bflag:$0x3] =	sbarrier.arrive $0xFFFF  }
0xb9: {  	_ =	shalt  }

</sc_bundles>
